<compile_context>
chip_gen: v7x
topology: tpu7x:2x2x1
jax: 0.10.2.dev20260603
libtpu: 0.0.44.dev20260713+nightly
codegen_flags: <defaults>
</compile_context>

<pallas_src>
import math

import jax
import jax.numpy as jnp
from jax import lax
from jax.experimental import pallas as pl
from jax.experimental.pallas import tpu as pltpu
from jax.experimental.pallas import tpu_sc as plsc

_VOCAB = 100000
_DIM = 128
_BATCH = 4096
_HIST = 50

_NC = 2
_NS = 16
_NW = _NC * _NS
_ROWS = _BATCH * _HIST
_CPW = _ROWS // _NW
_C = 128
_CHUNKS = _CPW // _C
_BCHUNKS = _BATCH // _C
_NBUF = 2
_LANES = 16
_SCALE = math.sqrt(_DIM)


def _emb_body(x_hbm, lut_hbm, out_hbm, idx_v, in_bufs, out_bufs, gsems, ssems):
    wid = lax.axis_index("s") * _NC + lax.axis_index("c")

    pltpu.sync_copy(x_hbm.at[wid], idx_v)

    def gather(g, b):
        return pltpu.make_async_copy(lut_hbm.at[idx_v.at[g]], in_bufs[b], gsems[b])

    def store(g, b):
        gg = wid * _CHUNKS + g
        dst = out_hbm.at[gg // _BCHUNKS, pl.ds((gg % _BCHUNKS) * _C, _C)]
        return pltpu.make_async_copy(out_bufs[b], dst, ssems[b])

    for b in range(_NBUF):
        gather(b, b).start()

    def scale_chunk(b):
        src, dst = in_bufs[b], out_bufs[b]

        def row(r, carry):
            for j in range(_DIM // _LANES):
                sl = pl.ds(j * _LANES, _LANES)
                dst[r, sl] = src[r, sl] * _SCALE
            return carry

        lax.fori_loop(0, _C, row, 0)

    def outer(i, carry):
        for b in range(_NBUF):
            g = i * _NBUF + b
            gather(g, b).wait()

            @pl.when(g >= _NBUF)
            def _():
                store(g - _NBUF, b).wait()

            scale_chunk(b)

            @pl.when(g + _NBUF < _CHUNKS)
            def _():
                gather(g + _NBUF, b).start()

            store(g, b).start()
        return carry

    lax.fori_loop(0, _CHUNKS // _NBUF, outer, 0)

    for b in range(_NBUF):
        store(_CHUNKS - _NBUF + b, b).wait()


def _make_kernel():
    mesh = plsc.VectorSubcoreMesh(
        core_axis_name="c", subcore_axis_name="s",
        num_cores=_NC, num_subcores=_NS,
    )
    return pl.kernel(
        _emb_body,
        out_type=jax.ShapeDtypeStruct((_HIST, _BATCH, _DIM), jnp.float32),
        mesh=mesh,
        scratch_types=[
            pltpu.VMEM((_CHUNKS, _C), jnp.int32),
            [pltpu.VMEM((_C, _DIM), jnp.float32) for _ in range(_NBUF)],
            [pltpu.VMEM((_C, _DIM), jnp.float32) for _ in range(_NBUF)],
            [pltpu.SemaphoreType.DMA for _ in range(_NBUF)],
            [pltpu.SemaphoreType.DMA for _ in range(_NBUF)],
        ],
    )


_emb_kernel = _make_kernel()


def kernel(x, lut):
    idx = x.astype(jnp.int32).T.reshape(_NW, _CHUNKS, _C)
    out_t = _emb_kernel(idx, lut)
    return out_t.transpose(1, 0, 2)

# --- scband reference (transcript-rebuilt; emitter-appended) ---
"""Pipeline reference for scband-embeddings-87875030876882 (READ-ONLY COPY).

The authoritative reference and input builder live on the scoring server;
editing this copy changes nothing except your own understanding.
"""

import jax, jax.numpy as jnp
import numpy as np
import math

VOCAB_LEN = 100000
EMBEDDING_DIM = 128
BATCH = 4096
HIST_LEN = 50

def setup_inputs(seed: int = 0) -> dict:
    key = jax.random.key(seed)
    k1, k2 = jax.random.split(key)
    x = jax.random.randint(k1, (BATCH, HIST_LEN), 0, VOCAB_LEN, dtype=jnp.int64 if jax.config.jax_enable_x64 else jnp.int32)
    lut = jax.random.normal(k2, (VOCAB_LEN, EMBEDDING_DIM), dtype=jnp.float32)
    return {"x": x, "lut": lut}

def reference(x, lut):
    # Embeddings.forward: lut(x) * sqrt(embedding_dim)
    emb = jnp.take(lut, x, axis=0)
    return emb * math.sqrt(EMBEDDING_DIM)

if __name__ == "__main__":
    import jax
    _d = setup_inputs()
    print(jax.jit(kernel)(*tuple(_d.values())))

</pallas_src>

<mosaic_0001>
#map = affine_map<(d0, d1) -> (0, 0, 0)>
#map1 = affine_map<(d0, d1) -> (0, 0)>
module attributes {stable_mosaic.version = 14 : i64} {
  func.func @_emb_body(%arg0: i32, %arg1: i32, %arg2: memref<32x50x128xi32, #tpu.memory_space<hbm>>, %arg3: memref<100000x128xf32, #tpu.memory_space<hbm>>, %arg4: memref<50x4096x128xf32, #tpu.memory_space<hbm>>, %arg5: memref<50x128xi32, #tpu.memory_space<vmem>>, %arg6: memref<128x128xf32, #tpu.memory_space<vmem>>, %arg7: memref<128x128xf32, #tpu.memory_space<vmem>>, %arg8: memref<128x128xf32, #tpu.memory_space<vmem>>, %arg9: memref<128x128xf32, #tpu.memory_space<vmem>>, %arg10: memref<!tpu.dma_semaphore, #tpu.memory_space<semaphore_mem>>, %arg11: memref<!tpu.dma_semaphore, #tpu.memory_space<semaphore_mem>>, %arg12: memref<!tpu.dma_semaphore, #tpu.memory_space<semaphore_mem>>, %arg13: memref<!tpu.dma_semaphore, #tpu.memory_space<semaphore_mem>>) attributes {dimension_semantics = [#tpu.dimension_semantics<core_parallel>, #tpu.dimension_semantics<subcore_parallel>], iteration_bounds = array<i64: 2, 16>, scalar_prefetch = 0 : i64, scratch_operands = 9 : i64, tpu.core_type = #tpu.core_type<sc_vector_subcore>, window_params = [{transform_indices = #map}, {transform_indices = #map1}, {transform_indices = #map}]} {
    %mul3A = arith.constant 2 : i32
    %mul3A_0 = arith.muli %arg1, %mul3A : i32
    %add3A = arith.addi %mul3A_0, %arg0 : i32
    "tpu.region"() ({
      %run_scoped3A = tpu.sem_alloc : memref<!tpu.dma_semaphore, #tpu.memory_space<semaphore_mem>>
      %dma_start3A_112 = arith.constant 0 : i32
      %dma_start3A_113 = arith.constant 0 : i32
      %dma_start3A_114 = tpu.memref_slice %arg2[%add3A, %dma_start3A_112, %dma_start3A_113] : memref<32x50x128xi32, #tpu.memory_space<hbm>> -> memref<1x50x128xi32, #tpu.memory_space<hbm>>
      %dma_start3A_115 = tpu.memref_squeeze %dma_start3A_114 : memref<1x50x128xi32, #tpu.memory_space<hbm>> -> memref<50x128xi32, #tpu.memory_space<hbm>>
      %dma_start3A_116 = arith.constant 0 : i32
      %dma_start3A_117 = arith.constant 0 : i32
      %dma_start3A_118 = tpu.memref_slice %arg2[%add3A, %dma_start3A_116, %dma_start3A_117] : memref<32x50x128xi32, #tpu.memory_space<hbm>> -> memref<1x50x128xi32, #tpu.memory_space<hbm>>
      %dma_start3A_119 = tpu.memref_squeeze %dma_start3A_118 : memref<1x50x128xi32, #tpu.memory_space<hbm>> -> memref<50x128xi32, #tpu.memory_space<hbm>>
      tpu.enqueue_dma source(%dma_start3A_119 : memref<50x128xi32, #tpu.memory_space<hbm>>) target(%arg5 : memref<50x128xi32, #tpu.memory_space<vmem>>) target_semaphore(%run_scoped3A : memref<!tpu.dma_semaphore, #tpu.memory_space<semaphore_mem>>)
      %dma_wait3A_120 = arith.constant 0 : i32
      %dma_wait3A_121 = arith.constant 0 : i32
      %dma_wait3A_122 = tpu.memref_slice %arg2[%add3A, %dma_wait3A_120, %dma_wait3A_121] : memref<32x50x128xi32, #tpu.memory_space<hbm>> -> memref<1x50x128xi32, #tpu.memory_space<hbm>>
      %dma_wait3A_123 = tpu.memref_squeeze %dma_wait3A_122 : memref<1x50x128xi32, #tpu.memory_space<hbm>> -> memref<50x128xi32, #tpu.memory_space<hbm>>
      %dma_wait3A_124 = arith.constant 0 : i32
      %dma_wait3A_125 = arith.constant 0 : i32
      %dma_wait3A_126 = tpu.memref_slice %arg2[%add3A, %dma_wait3A_124, %dma_wait3A_125] : memref<32x50x128xi32, #tpu.memory_space<hbm>> -> memref<1x50x128xi32, #tpu.memory_space<hbm>>
      %dma_wait3A_127 = tpu.memref_squeeze %dma_wait3A_126 : memref<1x50x128xi32, #tpu.memory_space<hbm>> -> memref<50x128xi32, #tpu.memory_space<hbm>>
      tpu.wait_dma2 semaphore(%run_scoped3A : memref<!tpu.dma_semaphore, #tpu.memory_space<semaphore_mem>>) src(%dma_wait3A_127 : memref<50x128xi32, #tpu.memory_space<hbm>>) dst(%arg5 : memref<50x128xi32, #tpu.memory_space<vmem>>)
      tpu.yield
    }) : () -> ()
    %dma_start3A = arith.constant 0 : i32
    %dma_start3A_1 = arith.constant 0 : i32
    %dma_start3A_2 = tpu.memref_slice %arg5[%dma_start3A, %dma_start3A_1] : memref<50x128xi32, #tpu.memory_space<vmem>> -> memref<1x128xi32, #tpu.memory_space<vmem>>
    %dma_start3A_3 = tpu.memref_squeeze %dma_start3A_2 : memref<1x128xi32, #tpu.memory_space<vmem>> -> memref<128xi32, #tpu.memory_space<vmem>>
    %dma_start3A_4 = arith.constant 0 : i32
    %dma_start3A_5 = arith.constant 0 : i32
    %dma_start3A_6 = tpu.memref_slice %arg3[%dma_start3A_4, %dma_start3A_5] : memref<100000x128xf32, #tpu.memory_space<hbm>> -> memref<100000x128xf32, #tpu.memory_space<hbm>>
    tpu.enqueue_indirect_dma source(%dma_start3A_6 : memref<100000x128xf32, #tpu.memory_space<hbm>>) target(%arg6 : memref<128x128xf32, #tpu.memory_space<vmem>>) offsets(%dma_start3A_3 : memref<128xi32, #tpu.memory_space<vmem>>) semaphore(%arg10 : memref<!tpu.dma_semaphore, #tpu.memory_space<semaphore_mem>>)
    %dma_start3A_7 = arith.constant 1 : i32
    %dma_start3A_8 = arith.constant 0 : i32
    %dma_start3A_9 = tpu.memref_slice %arg5[%dma_start3A_7, %dma_start3A_8] : memref<50x128xi32, #tpu.memory_space<vmem>> -> memref<1x128xi32, #tpu.memory_space<vmem>>
    %dma_start3A_10 = tpu.memref_squeeze %dma_start3A_9 : memref<1x128xi32, #tpu.memory_space<vmem>> -> memref<128xi32, #tpu.memory_space<vmem>>
    %dma_start3A_11 = arith.constant 0 : i32
    %dma_start3A_12 = arith.constant 0 : i32
    %dma_start3A_13 = tpu.memref_slice %arg3[%dma_start3A_11, %dma_start3A_12] : memref<100000x128xf32, #tpu.memory_space<hbm>> -> memref<100000x128xf32, #tpu.memory_space<hbm>>
    tpu.enqueue_indirect_dma source(%dma_start3A_13 : memref<100000x128xf32, #tpu.memory_space<hbm>>) target(%arg7 : memref<128x128xf32, #tpu.memory_space<vmem>>) offsets(%dma_start3A_10 : memref<128xi32, #tpu.memory_space<vmem>>) semaphore(%arg11 : memref<!tpu.dma_semaphore, #tpu.memory_space<semaphore_mem>>)
    %scan3A = arith.constant 0 : i32
    %scan3A_14 = arith.constant 0 : i32
    %scan3A_15 = arith.constant 25 : i32
    %scan3A_16 = arith.addi %scan3A_14, %scan3A_15 : i32
    %scan3A_17 = arith.constant 1 : i32
    scf.for %scan3A_112 = %scan3A_14 to %scan3A_16 step %scan3A_17  : i32 {
      %mul3A_113 = arith.constant 2 : i32
      %mul3A_114 = arith.muli %scan3A_112, %mul3A_113 : i32
      %add3A_115 = arith.constant 0 : i32
      %add3A_116 = arith.addi %mul3A_114, %add3A_115 : i32
      %dma_wait3A_117 = arith.constant 0 : i32
      %dma_wait3A_118 = tpu.memref_slice %arg5[%add3A_116, %dma_wait3A_117] : memref<50x128xi32, #tpu.memory_space<vmem>> -> memref<1x128xi32, #tpu.memory_space<vmem>>
      %dma_wait3A_119 = tpu.memref_squeeze %dma_wait3A_118 : memref<1x128xi32, #tpu.memory_space<vmem>> -> memref<128xi32, #tpu.memory_space<vmem>>
      %dma_wait3A_120 = arith.constant 0 : i32
      %dma_wait3A_121 = arith.constant 0 : i32
      %dma_wait3A_122 = tpu.memref_slice %arg3[%dma_wait3A_120, %dma_wait3A_121] : memref<100000x128xf32, #tpu.memory_space<hbm>> -> memref<100000x128xf32, #tpu.memory_space<hbm>>
      tpu.wait_indirect_dma semaphore(%arg10 : memref<!tpu.dma_semaphore, #tpu.memory_space<semaphore_mem>>) src(%dma_wait3A_122 : memref<100000x128xf32, #tpu.memory_space<hbm>>) dst(%arg6 : memref<128x128xf32, #tpu.memory_space<vmem>>)
      %ge3A = arith.constant 2 : i32
      %ge3A_123 = arith.cmpi sge, %add3A_116, %ge3A : i32
      %convert_element_type3A = arith.extui %ge3A_123 : i1 to i32
      %cond3A = arith.constant 0 : i32
      %cond3A_124 = arith.cmpi ne, %convert_element_type3A, %cond3A : i32
      scf.if %cond3A_124 {
        %sub3A_268 = arith.constant 2 : i32
        %sub3A_269 = arith.subi %add3A_116, %sub3A_268 : i32
        %mul3A_270 = arith.constant 50 : i32
        %mul3A_271 = arith.muli %add3A, %mul3A_270 : i32
        %add3A_272 = arith.addi %mul3A_271, %sub3A_269 : i32
        %jit3A_273 = arith.constant 32 : i32
        %div3A_274 = arith.divsi %add3A_272, %jit3A_273 : i32
        %sign3A_275 = arith.constant 0 : i32
        %sign3A_276 = arith.cmpi sgt, %add3A_272, %sign3A_275 : i32
        %sign3A_277 = arith.extui %sign3A_276 : i1 to i32
        %sign3A_278 = arith.constant 0 : i32
        %sign3A_279 = arith.cmpi slt, %add3A_272, %sign3A_278 : i32
        %sign3A_280 = arith.extui %sign3A_279 : i1 to i32
        %sign3A_281 = arith.subi %sign3A_277, %sign3A_280 : i32
        %sign3A_282 = arith.constant 0 : i32
        %sign3A_283 = arith.cmpi sgt, %jit3A_273, %sign3A_282 : i32
        %sign3A_284 = arith.extui %sign3A_283 : i1 to i32
        %sign3A_285 = arith.constant 0 : i32
        %sign3A_286 = arith.cmpi slt, %jit3A_273, %sign3A_285 : i32
        %sign3A_287 = arith.extui %sign3A_286 : i1 to i32
        %sign3A_288 = arith.subi %sign3A_284, %sign3A_287 : i32
        %ne3A_289 = arith.cmpi ne, %sign3A_281, %sign3A_288 : i32
        %rem3A_290 = arith.remsi %add3A_272, %jit3A_273 : i32
        %ne3A_291 = arith.constant 0 : i32
        %ne3A_292 = arith.cmpi ne, %rem3A_290, %ne3A_291 : i32
        %and3A_293 = arith.andi %ne3A_289, %ne3A_292 : i1
        %sub3A_294 = arith.constant 1 : i32
        %sub3A_295 = arith.subi %div3A_274, %sub3A_294 : i32
        %select_n3A_296 = arith.select %and3A_293, %sub3A_295, %div3A_274 : i32
        %jit3A_297 = arith.constant 32 : i32
        %eq3A_298 = arith.constant 0 : i32
        %eq3A_299 = arith.cmpi eq, %jit3A_297, %eq3A_298 : i32
        %jit3A_300 = arith.constant 1 : i32
        %select_n3A_301 = arith.select %eq3A_299, %jit3A_300, %jit3A_297 : i32
        %rem3A_302 = arith.remsi %add3A_272, %select_n3A_301 : i32
        %ne3A_303 = arith.constant 0 : i32
        %ne3A_304 = arith.cmpi ne, %rem3A_302, %ne3A_303 : i32
        %lt3A_305 = arith.constant 0 : i32
        %lt3A_306 = arith.cmpi slt, %rem3A_302, %lt3A_305 : i32
        %lt3A_307 = arith.constant 0 : i32
        %lt3A_308 = arith.cmpi slt, %select_n3A_301, %lt3A_307 : i32
        %ne3A_309 = arith.xori %lt3A_306, %lt3A_308 : i1
        %and3A_310 = arith.andi %ne3A_309, %ne3A_304 : i1
        %add3A_311 = arith.addi %rem3A_302, %select_n3A_301 : i32
        %select_n3A_312 = arith.select %and3A_310, %add3A_311, %rem3A_302 : i32
        %mul3A_313 = arith.constant 128 : i32
        %mul3A_314 = arith.muli %select_n3A_312, %mul3A_313 : i32
        %dma_wait3A_315 = arith.constant 0 : i32
        %dma_wait3A_316 = tpu.memref_slice %arg4[%select_n3A_296, %mul3A_314, %dma_wait3A_315] : memref<50x4096x128xf32, #tpu.memory_space<hbm>> -> memref<1x128x128xf32, #tpu.memory_space<hbm>>
        %dma_wait3A_317 = tpu.memref_squeeze %dma_wait3A_316 : memref<1x128x128xf32, #tpu.memory_space<hbm>> -> memref<128x128xf32, #tpu.memory_space<hbm>>
        %dma_wait3A_318 = arith.constant 0 : i32
        %dma_wait3A_319 = tpu.memref_slice %arg4[%select_n3A_296, %mul3A_314, %dma_wait3A_318] : memref<50x4096x128xf32, #tpu.memory_space<hbm>> -> memref<1x128x128xf32, #tpu.memory_space<hbm>>
        %dma_wait3A_320 = tpu.memref_squeeze %dma_wait3A_319 : memref<1x128x128xf32, #tpu.memory_space<hbm>> -> memref<128x128xf32, #tpu.memory_space<hbm>>
        tpu.wait_dma2 semaphore(%arg12 : memref<!tpu.dma_semaphore, #tpu.memory_space<semaphore_mem>>) src(%arg8 : memref<128x128xf32, #tpu.memory_space<vmem>>) dst(%dma_wait3A_320 : memref<128x128xf32, #tpu.memory_space<hbm>>)
      } else {
      }
      %scan3A_125 = arith.constant 0 : i32
      %scan3A_126 = arith.constant 0 : i32
      %scan3A_127 = arith.constant 128 : i32
      %scan3A_128 = arith.addi %scan3A_126, %scan3A_127 : i32
      %scan3A_129 = arith.constant 1 : i32
      scf.for %scan3A_268 = %scan3A_126 to %scan3A_128 step %scan3A_129  : i32 {
        %get3A = arith.index_cast %scan3A_268 : i32 to index
        %get3A_269 = arith.constant 0 : index
        %get3A_270 = tpu.vector_load %arg6[%get3A, %get3A_269] {strides = array<i32>} : memref<128x128xf32, #tpu.memory_space<vmem>>, vector<1x16xf32>,
        %get3A_271 = vector.shape_cast %get3A_270 : vector<1x16xf32> to vector<16xf32>
        %mul3A_272 = arith.constant 11.3137083 : f32
        %mul3A_273 = vector.broadcast %mul3A_272 : f32 to vector<16xf32>
        %mul3A_274 = arith.mulf %get3A_271, %mul3A_273 : vector<16xf32>
        %swap3A = arith.index_cast %scan3A_268 : i32 to index
        %swap3A_275 = arith.constant 0 : index
        %swap3A_276 = tpu.vector_load %arg8[%swap3A, %swap3A_275] {strides = array<i32>} : memref<128x128xf32, #tpu.memory_space<vmem>>, vector<1x16xf32>,
        %swap3A_277 = vector.shape_cast %swap3A_276 : vector<1x16xf32> to vector<16xf32>
        %swap3A_278 = vector.shape_cast %mul3A_274 : vector<16xf32> to vector<1x16xf32>
        tpu.vector_store %arg8[%swap3A, %swap3A_275], %swap3A_278 {strides = array<i32>} : memref<128x128xf32, #tpu.memory_space<vmem>>, vector<1x16xf32>,
        %get3A_279 = arith.index_cast %scan3A_268 : i32 to index
        %get3A_280 = arith.constant 16 : index
        %get3A_281 = tpu.vector_load %arg6[%get3A_279, %get3A_280] {strides = array<i32>} : memref<128x128xf32, #tpu.memory_space<vmem>>, vector<1x16xf32>,
        %get3A_282 = vector.shape_cast %get3A_281 : vector<1x16xf32> to vector<16xf32>
        %mul3A_283 = arith.constant 11.3137083 : f32
        %mul3A_284 = vector.broadcast %mul3A_283 : f32 to vector<16xf32>
        %mul3A_285 = arith.mulf %get3A_282, %mul3A_284 : vector<16xf32>
        %swap3A_286 = arith.index_cast %scan3A_268 : i32 to index
        %swap3A_287 = arith.constant 16 : index
        %swap3A_288 = tpu.vector_load %arg8[%swap3A_286, %swap3A_287] {strides = array<i32>} : memref<128x128xf32, #tpu.memory_space<vmem>>, vector<1x16xf32>,
        %swap3A_289 = vector.shape_cast %swap3A_288 : vector<1x16xf32> to vector<16xf32>
        %swap3A_290 = vector.shape_cast %mul3A_285 : vector<16xf32> to vector<1x16xf32>
        tpu.vector_store %arg8[%swap3A_286, %swap3A_287], %swap3A_290 {strides = array<i32>} : memref<128x128xf32, #tpu.memory_space<vmem>>, vector<1x16xf32>,
        %get3A_291 = arith.index_cast %scan3A_268 : i32 to index
        %get3A_292 = arith.constant 32 : index
        %get3A_293 = tpu.vector_load %arg6[%get3A_291, %get3A_292] {strides = array<i32>} : memref<128x128xf32, #tpu.memory_space<vmem>>, vector<1x16xf32>,
        %get3A_294 = vector.shape_cast %get3A_293 : vector<1x16xf32> to vector<16xf32>
        %mul3A_295 = arith.constant 11.3137083 : f32
        %mul3A_296 = vector.broadcast %mul3A_295 : f32 to vector<16xf32>
        %mul3A_297 = arith.mulf %get3A_294, %mul3A_296 : vector<16xf32>
        %swap3A_298 = arith.index_cast %scan3A_268 : i32 to index
        %swap3A_299 = arith.constant 32 : index
        %swap3A_300 = tpu.vector_load %arg8[%swap3A_298, %swap3A_299] {strides = array<i32>} : memref<128x128xf32, #tpu.memory_space<vmem>>, vector<1x16xf32>,
        %swap3A_301 = vector.shape_cast %swap3A_300 : vector<1x16xf32> to vector<16xf32>
        %swap3A_302 = vector.shape_cast %mul3A_297 : vector<16xf32> to vector<1x16xf32>
        tpu.vector_store %arg8[%swap3A_298, %swap3A_299], %swap3A_302 {strides = array<i32>} : memref<128x128xf32, #tpu.memory_space<vmem>>, vector<1x16xf32>,
        %get3A_303 = arith.index_cast %scan3A_268 : i32 to index
        %get3A_304 = arith.constant 48 : index
        %get3A_305 = tpu.vector_load %arg6[%get3A_303, %get3A_304] {strides = array<i32>} : memref<128x128xf32, #tpu.memory_space<vmem>>, vector<1x16xf32>,
        %get3A_306 = vector.shape_cast %get3A_305 : vector<1x16xf32> to vector<16xf32>
        %mul3A_307 = arith.constant 11.3137083 : f32
        %mul3A_308 = vector.broadcast %mul3A_307 : f32 to vector<16xf32>
        %mul3A_309 = arith.mulf %get3A_306, %mul3A_308 : vector<16xf32>
        %swap3A_310 = arith.index_cast %scan3A_268 : i32 to index
        %swap3A_311 = arith.constant 48 : index
        %swap3A_312 = tpu.vector_load %arg8[%swap3A_310, %swap3A_311] {strides = array<i32>} : memref<128x128xf32, #tpu.memory_space<vmem>>, vector<1x16xf32>,
        %swap3A_313 = vector.shape_cast %swap3A_312 : vector<1x16xf32> to vector<16xf32>
        %swap3A_314 = vector.shape_cast %mul3A_309 : vector<16xf32> to vector<1x16xf32>
        tpu.vector_store %arg8[%swap3A_310, %swap3A_311], %swap3A_314 {strides = array<i32>} : memref<128x128xf32, #tpu.memory_space<vmem>>, vector<1x16xf32>,
        %get3A_315 = arith.index_cast %scan3A_268 : i32 to index
        %get3A_316 = arith.constant 64 : index
        %get3A_317 = tpu.vector_load %arg6[%get3A_315, %get3A_316] {strides = array<i32>} : memref<128x128xf32, #tpu.memory_space<vmem>>, vector<1x16xf32>,
        %get3A_318 = vector.shape_cast %get3A_317 : vector<1x16xf32> to vector<16xf32>
        %mul3A_319 = arith.constant 11.3137083 : f32
        %mul3A_320 = vector.broadcast %mul3A_319 : f32 to vector<16xf32>
        %mul3A_321 = arith.mulf %get3A_318, %mul3A_320 : vector<16xf32>
        %swap3A_322 = arith.index_cast %scan3A_268 : i32 to index
        %swap3A_323 = arith.constant 64 : index
        %swap3A_324 = tpu.vector_load %arg8[%swap3A_322, %swap3A_323] {strides = array<i32>} : memref<128x128xf32, #tpu.memory_space<vmem>>, vector<1x16xf32>,
        %swap3A_325 = vector.shape_cast %swap3A_324 : vector<1x16xf32> to vector<16xf32>
        %swap3A_326 = vector.shape_cast %mul3A_321 : vector<16xf32> to vector<1x16xf32>
        tpu.vector_store %arg8[%swap3A_322, %swap3A_323], %swap3A_326 {strides = array<i32>} : memref<128x128xf32, #tpu.memory_space<vmem>>, vector<1x16xf32>,
        %get3A_327 = arith.index_cast %scan3A_268 : i32 to index
        %get3A_328 = arith.constant 80 : index
        %get3A_329 = tpu.vector_load %arg6[%get3A_327, %get3A_328] {strides = array<i32>} : memref<128x128xf32, #tpu.memory_space<vmem>>, vector<1x16xf32>,
        %get3A_330 = vector.shape_cast %get3A_329 : vector<1x16xf32> to vector<16xf32>
        %mul3A_331 = arith.constant 11.3137083 : f32
        %mul3A_332 = vector.broadcast %mul3A_331 : f32 to vector<16xf32>
        %mul3A_333 = arith.mulf %get3A_330, %mul3A_332 : vector<16xf32>
        %swap3A_334 = arith.index_cast %scan3A_268 : i32 to index
        %swap3A_335 = arith.constant 80 : index
        %swap3A_336 = tpu.vector_load %arg8[%swap3A_334, %swap3A_335] {strides = array<i32>} : memref<128x128xf32, #tpu.memory_space<vmem>>, vector<1x16xf32>,
        %swap3A_337 = vector.shape_cast %swap3A_336 : vector<1x16xf32> to vector<16xf32>
        %swap3A_338 = vector.shape_cast %mul3A_333 : vector<16xf32> to vector<1x16xf32>
        tpu.vector_store %arg8[%swap3A_334, %swap3A_335], %swap3A_338 {strides = array<i32>} : memref<128x128xf32, #tpu.memory_space<vmem>>, vector<1x16xf32>,
        %get3A_339 = arith.index_cast %scan3A_268 : i32 to index
        %get3A_340 = arith.constant 96 : index
        %get3A_341 = tpu.vector_load %arg6[%get3A_339, %get3A_340] {strides = array<i32>} : memref<128x128xf32, #tpu.memory_space<vmem>>, vector<1x16xf32>,
        %get3A_342 = vector.shape_cast %get3A_341 : vector<1x16xf32> to vector<16xf32>
        %mul3A_343 = arith.constant 11.3137083 : f32
        %mul3A_344 = vector.broadcast %mul3A_343 : f32 to vector<16xf32>
        %mul3A_345 = arith.mulf %get3A_342, %mul3A_344 : vector<16xf32>
        %swap3A_346 = arith.index_cast %scan3A_268 : i32 to index
        %swap3A_347 = arith.constant 96 : index
        %swap3A_348 = tpu.vector_load %arg8[%swap3A_346, %swap3A_347] {strides = array<i32>} : memref<128x128xf32, #tpu.memory_space<vmem>>, vector<1x16xf32>,
        %swap3A_349 = vector.shape_cast %swap3A_348 : vector<1x16xf32> to vector<16xf32>
        %swap3A_350 = vector.shape_cast %mul3A_345 : vector<16xf32> to vector<1x16xf32>
        tpu.vector_store %arg8[%swap3A_346, %swap3A_347], %swap3A_350 {strides = array<i32>} : memref<128x128xf32, #tpu.memory_space<vmem>>, vector<1x16xf32>,
        %get3A_351 = arith.index_cast %scan3A_268 : i32 to index
        %get3A_352 = arith.constant 112 : index
        %get3A_353 = tpu.vector_load %arg6[%get3A_351, %get3A_352] {strides = array<i32>} : memref<128x128xf32, #tpu.memory_space<vmem>>, vector<1x16xf32>,
        %get3A_354 = vector.shape_cast %get3A_353 : vector<1x16xf32> to vector<16xf32>
        %mul3A_355 = arith.constant 11.3137083 : f32
        %mul3A_356 = vector.broadcast %mul3A_355 : f32 to vector<16xf32>
        %mul3A_357 = arith.mulf %get3A_354, %mul3A_356 : vector<16xf32>
        %swap3A_358 = arith.index_cast %scan3A_268 : i32 to index
        %swap3A_359 = arith.constant 112 : index
        %swap3A_360 = tpu.vector_load %arg8[%swap3A_358, %swap3A_359] {strides = array<i32>} : memref<128x128xf32, #tpu.memory_space<vmem>>, vector<1x16xf32>,
        %swap3A_361 = vector.shape_cast %swap3A_360 : vector<1x16xf32> to vector<16xf32>
        %swap3A_362 = vector.shape_cast %mul3A_357 : vector<16xf32> to vector<1x16xf32>
        tpu.vector_store %arg8[%swap3A_358, %swap3A_359], %swap3A_362 {strides = array<i32>} : memref<128x128xf32, #tpu.memory_space<vmem>>, vector<1x16xf32>,
      }
      %scan3A_130 = arith.constant 128 : i32
      %add3A_131 = arith.constant 2 : i32
      %add3A_132 = arith.addi %add3A_116, %add3A_131 : i32
      %lt3A_133 = arith.constant 50 : i32
      %lt3A_134 = arith.cmpi slt, %add3A_132, %lt3A_133 : i32
      %convert_element_type3A_135 = arith.extui %lt3A_134 : i1 to i32
      %cond3A_136 = arith.constant 0 : i32
      %cond3A_137 = arith.cmpi ne, %convert_element_type3A_135, %cond3A_136 : i32
      scf.if %cond3A_137 {
        %add3A_268 = arith.constant 2 : i32
        %add3A_269 = arith.addi %add3A_116, %add3A_268 : i32
        %dma_start3A_270 = arith.constant 0 : i32
        %dma_start3A_271 = tpu.memref_slice %arg5[%add3A_269, %dma_start3A_270] : memref<50x128xi32, #tpu.memory_space<vmem>> -> memref<1x128xi32, #tpu.memory_space<vmem>>
        %dma_start3A_272 = tpu.memref_squeeze %dma_start3A_271 : memref<1x128xi32, #tpu.memory_space<vmem>> -> memref<128xi32, #tpu.memory_space<vmem>>
        %dma_start3A_273 = arith.constant 0 : i32
        %dma_start3A_274 = arith.constant 0 : i32
        %dma_start3A_275 = tpu.memref_slice %arg3[%dma_start3A_273, %dma_start3A_274] : memref<100000x128xf32, #tpu.memory_space<hbm>> -> memref<100000x128xf32, #tpu.memory_space<hbm>>
        tpu.enqueue_indirect_dma source(%dma_start3A_275 : memref<100000x128xf32, #tpu.memory_space<hbm>>) target(%arg6 : memref<128x128xf32, #tpu.memory_space<vmem>>) offsets(%dma_start3A_272 : memref<128xi32, #tpu.memory_space<vmem>>) semaphore(%arg10 : memref<!tpu.dma_semaphore, #tpu.memory_space<semaphore_mem>>)
      } else {
      }
      %mul3A_138 = arith.constant 50 : i32
      %mul3A_139 = arith.muli %add3A, %mul3A_138 : i32
      %add3A_140 = arith.addi %mul3A_139, %add3A_116 : i32
      %jit3A_141 = arith.constant 32 : i32
      %div3A_142 = arith.divsi %add3A_140, %jit3A_141 : i32
      %sign3A_143 = arith.constant 0 : i32
      %sign3A_144 = arith.cmpi sgt, %add3A_140, %sign3A_143 : i32
      %sign3A_145 = arith.extui %sign3A_144 : i1 to i32
      %sign3A_146 = arith.constant 0 : i32
      %sign3A_147 = arith.cmpi slt, %add3A_140, %sign3A_146 : i32
      %sign3A_148 = arith.extui %sign3A_147 : i1 to i32
      %sign3A_149 = arith.subi %sign3A_145, %sign3A_148 : i32
      %sign3A_150 = arith.constant 0 : i32
      %sign3A_151 = arith.cmpi sgt, %jit3A_141, %sign3A_150 : i32
      %sign3A_152 = arith.extui %sign3A_151 : i1 to i32
      %sign3A_153 = arith.constant 0 : i32
      %sign3A_154 = arith.cmpi slt, %jit3A_141, %sign3A_153 : i32
      %sign3A_155 = arith.extui %sign3A_154 : i1 to i32
      %sign3A_156 = arith.subi %sign3A_152, %sign3A_155 : i32
      %ne3A_157 = arith.cmpi ne, %sign3A_149, %sign3A_156 : i32
      %rem3A_158 = arith.remsi %add3A_140, %jit3A_141 : i32
      %ne3A_159 = arith.constant 0 : i32
      %ne3A_160 = arith.cmpi ne, %rem3A_158, %ne3A_159 : i32
      %and3A_161 = arith.andi %ne3A_157, %ne3A_160 : i1
      %sub3A_162 = arith.constant 1 : i32
      %sub3A_163 = arith.subi %div3A_142, %sub3A_162 : i32
      %select_n3A_164 = arith.select %and3A_161, %sub3A_163, %div3A_142 : i32
      %jit3A_165 = arith.constant 32 : i32
      %eq3A_166 = arith.constant 0 : i32
      %eq3A_167 = arith.cmpi eq, %jit3A_165, %eq3A_166 : i32
      %jit3A_168 = arith.constant 1 : i32
      %select_n3A_169 = arith.select %eq3A_167, %jit3A_168, %jit3A_165 : i32
      %rem3A_170 = arith.remsi %add3A_140, %select_n3A_169 : i32
      %ne3A_171 = arith.constant 0 : i32
      %ne3A_172 = arith.cmpi ne, %rem3A_170, %ne3A_171 : i32
      %lt3A_173 = arith.constant 0 : i32
      %lt3A_174 = arith.cmpi slt, %rem3A_170, %lt3A_173 : i32
      %lt3A_175 = arith.constant 0 : i32
      %lt3A_176 = arith.cmpi slt, %select_n3A_169, %lt3A_175 : i32
      %ne3A_177 = arith.xori %lt3A_174, %lt3A_176 : i1
      %and3A_178 = arith.andi %ne3A_177, %ne3A_172 : i1
      %add3A_179 = arith.addi %rem3A_170, %select_n3A_169 : i32
      %select_n3A_180 = arith.select %and3A_178, %add3A_179, %rem3A_170 : i32
      %mul3A_181 = arith.constant 128 : i32
      %mul3A_182 = arith.muli %select_n3A_180, %mul3A_181 : i32
      %dma_start3A_183 = arith.constant 0 : i32
      %dma_start3A_184 = tpu.memref_slice %arg4[%select_n3A_164, %mul3A_182, %dma_start3A_183] : memref<50x4096x128xf32, #tpu.memory_space<hbm>> -> memref<1x128x128xf32, #tpu.memory_space<hbm>>
      %dma_start3A_185 = tpu.memref_squeeze %dma_start3A_184 : memref<1x128x128xf32, #tpu.memory_space<hbm>> -> memref<128x128xf32, #tpu.memory_space<hbm>>
      %dma_start3A_186 = arith.constant 0 : i32
      %dma_start3A_187 = tpu.memref_slice %arg4[%select_n3A_164, %mul3A_182, %dma_start3A_186] : memref<50x4096x128xf32, #tpu.memory_space<hbm>> -> memref<1x128x128xf32, #tpu.memory_space<hbm>>
      %dma_start3A_188 = tpu.memref_squeeze %dma_start3A_187 : memref<1x128x128xf32, #tpu.memory_space<hbm>> -> memref<128x128xf32, #tpu.memory_space<hbm>>
      tpu.enqueue_dma source(%arg8 : memref<128x128xf32, #tpu.memory_space<vmem>>) target(%dma_start3A_188 : memref<128x128xf32, #tpu.memory_space<hbm>>) target_semaphore(%arg12 : memref<!tpu.dma_semaphore, #tpu.memory_space<semaphore_mem>>)
      %mul3A_189 = arith.constant 2 : i32
      %mul3A_190 = arith.muli %scan3A_112, %mul3A_189 : i32
      %add3A_191 = arith.constant 1 : i32
      %add3A_192 = arith.addi %mul3A_190, %add3A_191 : i32
      %dma_wait3A_193 = arith.constant 0 : i32
      %dma_wait3A_194 = tpu.memref_slice %arg5[%add3A_192, %dma_wait3A_193] : memref<50x128xi32, #tpu.memory_space<vmem>> -> memref<1x128xi32, #tpu.memory_space<vmem>>
      %dma_wait3A_195 = tpu.memref_squeeze %dma_wait3A_194 : memref<1x128xi32, #tpu.memory_space<vmem>> -> memref<128xi32, #tpu.memory_space<vmem>>
      %dma_wait3A_196 = arith.constant 0 : i32
      %dma_wait3A_197 = arith.constant 0 : i32
      %dma_wait3A_198 = tpu.memref_slice %arg3[%dma_wait3A_196, %dma_wait3A_197] : memref<100000x128xf32, #tpu.memory_space<hbm>> -> memref<100000x128xf32, #tpu.memory_space<hbm>>
      tpu.wait_indirect_dma semaphore(%arg11 : memref<!tpu.dma_semaphore, #tpu.memory_space<semaphore_mem>>) src(%dma_wait3A_198 : memref<100000x128xf32, #tpu.memory_space<hbm>>) dst(%arg7 : memref<128x128xf32, #tpu.memory_space<vmem>>)
      %ge3A_199 = arith.constant 2 : i32
      %ge3A_200 = arith.cmpi sge, %add3A_192, %ge3A_199 : i32
      %convert_element_type3A_201 = arith.extui %ge3A_200 : i1 to i32
      %cond3A_202 = arith.constant 0 : i32
      %cond3A_203 = arith.cmpi ne, %convert_element_type3A_201, %cond3A_202 : i32
      scf.if %cond3A_203 {
        %sub3A_268 = arith.constant 2 : i32
        %sub3A_269 = arith.subi %add3A_192, %sub3A_268 : i32
        %mul3A_270 = arith.constant 50 : i32
        %mul3A_271 = arith.muli %add3A, %mul3A_270 : i32
        %add3A_272 = arith.addi %mul3A_271, %sub3A_269 : i32
        %jit3A_273 = arith.constant 32 : i32
        %div3A_274 = arith.divsi %add3A_272, %jit3A_273 : i32
        %sign3A_275 = arith.constant 0 : i32
        %sign3A_276 = arith.cmpi sgt, %add3A_272, %sign3A_275 : i32
        %sign3A_277 = arith.extui %sign3A_276 : i1 to i32
        %sign3A_278 = arith.constant 0 : i32
        %sign3A_279 = arith.cmpi slt, %add3A_272, %sign3A_278 : i32
        %sign3A_280 = arith.extui %sign3A_279 : i1 to i32
        %sign3A_281 = arith.subi %sign3A_277, %sign3A_280 : i32
        %sign3A_282 = arith.constant 0 : i32
        %sign3A_283 = arith.cmpi sgt, %jit3A_273, %sign3A_282 : i32
        %sign3A_284 = arith.extui %sign3A_283 : i1 to i32
        %sign3A_285 = arith.constant 0 : i32
        %sign3A_286 = arith.cmpi slt, %jit3A_273, %sign3A_285 : i32
        %sign3A_287 = arith.extui %sign3A_286 : i1 to i32
        %sign3A_288 = arith.subi %sign3A_284, %sign3A_287 : i32
        %ne3A_289 = arith.cmpi ne, %sign3A_281, %sign3A_288 : i32
        %rem3A_290 = arith.remsi %add3A_272, %jit3A_273 : i32
        %ne3A_291 = arith.constant 0 : i32
        %ne3A_292 = arith.cmpi ne, %rem3A_290, %ne3A_291 : i32
        %and3A_293 = arith.andi %ne3A_289, %ne3A_292 : i1
        %sub3A_294 = arith.constant 1 : i32
        %sub3A_295 = arith.subi %div3A_274, %sub3A_294 : i32
        %select_n3A_296 = arith.select %and3A_293, %sub3A_295, %div3A_274 : i32
        %jit3A_297 = arith.constant 32 : i32
        %eq3A_298 = arith.constant 0 : i32
        %eq3A_299 = arith.cmpi eq, %jit3A_297, %eq3A_298 : i32
        %jit3A_300 = arith.constant 1 : i32
        %select_n3A_301 = arith.select %eq3A_299, %jit3A_300, %jit3A_297 : i32
        %rem3A_302 = arith.remsi %add3A_272, %select_n3A_301 : i32
        %ne3A_303 = arith.constant 0 : i32
        %ne3A_304 = arith.cmpi ne, %rem3A_302, %ne3A_303 : i32
        %lt3A_305 = arith.constant 0 : i32
        %lt3A_306 = arith.cmpi slt, %rem3A_302, %lt3A_305 : i32
        %lt3A_307 = arith.constant 0 : i32
        %lt3A_308 = arith.cmpi slt, %select_n3A_301, %lt3A_307 : i32
        %ne3A_309 = arith.xori %lt3A_306, %lt3A_308 : i1
        %and3A_310 = arith.andi %ne3A_309, %ne3A_304 : i1
        %add3A_311 = arith.addi %rem3A_302, %select_n3A_301 : i32
        %select_n3A_312 = arith.select %and3A_310, %add3A_311, %rem3A_302 : i32
        %mul3A_313 = arith.constant 128 : i32
        %mul3A_314 = arith.muli %select_n3A_312, %mul3A_313 : i32
        %dma_wait3A_315 = arith.constant 0 : i32
        %dma_wait3A_316 = tpu.memref_slice %arg4[%select_n3A_296, %mul3A_314, %dma_wait3A_315] : memref<50x4096x128xf32, #tpu.memory_space<hbm>> -> memref<1x128x128xf32, #tpu.memory_space<hbm>>
        %dma_wait3A_317 = tpu.memref_squeeze %dma_wait3A_316 : memref<1x128x128xf32, #tpu.memory_space<hbm>> -> memref<128x128xf32, #tpu.memory_space<hbm>>
        %dma_wait3A_318 = arith.constant 0 : i32
        %dma_wait3A_319 = tpu.memref_slice %arg4[%select_n3A_296, %mul3A_314, %dma_wait3A_318] : memref<50x4096x128xf32, #tpu.memory_space<hbm>> -> memref<1x128x128xf32, #tpu.memory_space<hbm>>
        %dma_wait3A_320 = tpu.memref_squeeze %dma_wait3A_319 : memref<1x128x128xf32, #tpu.memory_space<hbm>> -> memref<128x128xf32, #tpu.memory_space<hbm>>
        tpu.wait_dma2 semaphore(%arg13 : memref<!tpu.dma_semaphore, #tpu.memory_space<semaphore_mem>>) src(%arg9 : memref<128x128xf32, #tpu.memory_space<vmem>>) dst(%dma_wait3A_320 : memref<128x128xf32, #tpu.memory_space<hbm>>)
      } else {
      }
      %scan3A_204 = arith.constant 0 : i32
      %scan3A_205 = arith.constant 0 : i32
      %scan3A_206 = arith.constant 128 : i32
      %scan3A_207 = arith.addi %scan3A_205, %scan3A_206 : i32
      %scan3A_208 = arith.constant 1 : i32
      scf.for %scan3A_268 = %scan3A_205 to %scan3A_207 step %scan3A_208  : i32 {
        %get3A = arith.index_cast %scan3A_268 : i32 to index
        %get3A_269 = arith.constant 0 : index
        %get3A_270 = tpu.vector_load %arg7[%get3A, %get3A_269] {strides = array<i32>} : memref<128x128xf32, #tpu.memory_space<vmem>>, vector<1x16xf32>,
        %get3A_271 = vector.shape_cast %get3A_270 : vector<1x16xf32> to vector<16xf32>
        %mul3A_272 = arith.constant 11.3137083 : f32
        %mul3A_273 = vector.broadcast %mul3A_272 : f32 to vector<16xf32>
        %mul3A_274 = arith.mulf %get3A_271, %mul3A_273 : vector<16xf32>
        %swap3A = arith.index_cast %scan3A_268 : i32 to index
        %swap3A_275 = arith.constant 0 : index
        %swap3A_276 = tpu.vector_load %arg9[%swap3A, %swap3A_275] {strides = array<i32>} : memref<128x128xf32, #tpu.memory_space<vmem>>, vector<1x16xf32>,
        %swap3A_277 = vector.shape_cast %swap3A_276 : vector<1x16xf32> to vector<16xf32>
        %swap3A_278 = vector.shape_cast %mul3A_274 : vector<16xf32> to vector<1x16xf32>
        tpu.vector_store %arg9[%swap3A, %swap3A_275], %swap3A_278 {strides = array<i32>} : memref<128x128xf32, #tpu.memory_space<vmem>>, vector<1x16xf32>,
        %get3A_279 = arith.index_cast %scan3A_268 : i32 to index
        %get3A_280 = arith.constant 16 : index
        %get3A_281 = tpu.vector_load %arg7[%get3A_279, %get3A_280] {strides = array<i32>} : memref<128x128xf32, #tpu.memory_space<vmem>>, vector<1x16xf32>,
        %get3A_282 = vector.shape_cast %get3A_281 : vector<1x16xf32> to vector<16xf32>
        %mul3A_283 = arith.constant 11.3137083 : f32
        %mul3A_284 = vector.broadcast %mul3A_283 : f32 to vector<16xf32>
        %mul3A_285 = arith.mulf %get3A_282, %mul3A_284 : vector<16xf32>
        %swap3A_286 = arith.index_cast %scan3A_268 : i32 to index
        %swap3A_287 = arith.constant 16 : index
        %swap3A_288 = tpu.vector_load %arg9[%swap3A_286, %swap3A_287] {strides = array<i32>} : memref<128x128xf32, #tpu.memory_space<vmem>>, vector<1x16xf32>,
        %swap3A_289 = vector.shape_cast %swap3A_288 : vector<1x16xf32> to vector<16xf32>
        %swap3A_290 = vector.shape_cast %mul3A_285 : vector<16xf32> to vector<1x16xf32>
        tpu.vector_store %arg9[%swap3A_286, %swap3A_287], %swap3A_290 {strides = array<i32>} : memref<128x128xf32, #tpu.memory_space<vmem>>, vector<1x16xf32>,
        %get3A_291 = arith.index_cast %scan3A_268 : i32 to index
        %get3A_292 = arith.constant 32 : index
        %get3A_293 = tpu.vector_load %arg7[%get3A_291, %get3A_292] {strides = array<i32>} : memref<128x128xf32, #tpu.memory_space<vmem>>, vector<1x16xf32>,
        %get3A_294 = vector.shape_cast %get3A_293 : vector<1x16xf32> to vector<16xf32>
        %mul3A_295 = arith.constant 11.3137083 : f32
        %mul3A_296 = vector.broadcast %mul3A_295 : f32 to vector<16xf32>
        %mul3A_297 = arith.mulf %get3A_294, %mul3A_296 : vector<16xf32>
        %swap3A_298 = arith.index_cast %scan3A_268 : i32 to index
        %swap3A_299 = arith.constant 32 : index
        %swap3A_300 = tpu.vector_load %arg9[%swap3A_298, %swap3A_299] {strides = array<i32>} : memref<128x128xf32, #tpu.memory_space<vmem>>, vector<1x16xf32>,
        %swap3A_301 = vector.shape_cast %swap3A_300 : vector<1x16xf32> to vector<16xf32>
        %swap3A_302 = vector.shape_cast %mul3A_297 : vector<16xf32> to vector<1x16xf32>
        tpu.vector_store %arg9[%swap3A_298, %swap3A_299], %swap3A_302 {strides = array<i32>} : memref<128x128xf32, #tpu.memory_space<vmem>>, vector<1x16xf32>,
        %get3A_303 = arith.index_cast %scan3A_268 : i32 to index
        %get3A_304 = arith.constant 48 : index
        %get3A_305 = tpu.vector_load %arg7[%get3A_303, %get3A_304] {strides = array<i32>} : memref<128x128xf32, #tpu.memory_space<vmem>>, vector<1x16xf32>,
        %get3A_306 = vector.shape_cast %get3A_305 : vector<1x16xf32> to vector<16xf32>
        %mul3A_307 = arith.constant 11.3137083 : f32
        %mul3A_308 = vector.broadcast %mul3A_307 : f32 to vector<16xf32>
        %mul3A_309 = arith.mulf %get3A_306, %mul3A_308 : vector<16xf32>
        %swap3A_310 = arith.index_cast %scan3A_268 : i32 to index
        %swap3A_311 = arith.constant 48 : index
        %swap3A_312 = tpu.vector_load %arg9[%swap3A_310, %swap3A_311] {strides = array<i32>} : memref<128x128xf32, #tpu.memory_space<vmem>>, vector<1x16xf32>,
        %swap3A_313 = vector.shape_cast %swap3A_312 : vector<1x16xf32> to vector<16xf32>
        %swap3A_314 = vector.shape_cast %mul3A_309 : vector<16xf32> to vector<1x16xf32>
        tpu.vector_store %arg9[%swap3A_310, %swap3A_311], %swap3A_314 {strides = array<i32>} : memref<128x128xf32, #tpu.memory_space<vmem>>, vector<1x16xf32>,
        %get3A_315 = arith.index_cast %scan3A_268 : i32 to index
        %get3A_316 = arith.constant 64 : index
        %get3A_317 = tpu.vector_load %arg7[%get3A_315, %get3A_316] {strides = array<i32>} : memref<128x128xf32, #tpu.memory_space<vmem>>, vector<1x16xf32>,
        %get3A_318 = vector.shape_cast %get3A_317 : vector<1x16xf32> to vector<16xf32>
        %mul3A_319 = arith.constant 11.3137083 : f32
        %mul3A_320 = vector.broadcast %mul3A_319 : f32 to vector<16xf32>
        %mul3A_321 = arith.mulf %get3A_318, %mul3A_320 : vector<16xf32>
        %swap3A_322 = arith.index_cast %scan3A_268 : i32 to index
        %swap3A_323 = arith.constant 64 : index
        %swap3A_324 = tpu.vector_load %arg9[%swap3A_322, %swap3A_323] {strides = array<i32>} : memref<128x128xf32, #tpu.memory_space<vmem>>, vector<1x16xf32>,
        %swap3A_325 = vector.shape_cast %swap3A_324 : vector<1x16xf32> to vector<16xf32>
        %swap3A_326 = vector.shape_cast %mul3A_321 : vector<16xf32> to vector<1x16xf32>
        tpu.vector_store %arg9[%swap3A_322, %swap3A_323], %swap3A_326 {strides = array<i32>} : memref<128x128xf32, #tpu.memory_space<vmem>>, vector<1x16xf32>,
        %get3A_327 = arith.index_cast %scan3A_268 : i32 to index
        %get3A_328 = arith.constant 80 : index
        %get3A_329 = tpu.vector_load %arg7[%get3A_327, %get3A_328] {strides = array<i32>} : memref<128x128xf32, #tpu.memory_space<vmem>>, vector<1x16xf32>,
        %get3A_330 = vector.shape_cast %get3A_329 : vector<1x16xf32> to vector<16xf32>
        %mul3A_331 = arith.constant 11.3137083 : f32
        %mul3A_332 = vector.broadcast %mul3A_331 : f32 to vector<16xf32>
        %mul3A_333 = arith.mulf %get3A_330, %mul3A_332 : vector<16xf32>
        %swap3A_334 = arith.index_cast %scan3A_268 : i32 to index
        %swap3A_335 = arith.constant 80 : index
        %swap3A_336 = tpu.vector_load %arg9[%swap3A_334, %swap3A_335] {strides = array<i32>} : memref<128x128xf32, #tpu.memory_space<vmem>>, vector<1x16xf32>,
        %swap3A_337 = vector.shape_cast %swap3A_336 : vector<1x16xf32> to vector<16xf32>
        %swap3A_338 = vector.shape_cast %mul3A_333 : vector<16xf32> to vector<1x16xf32>
        tpu.vector_store %arg9[%swap3A_334, %swap3A_335], %swap3A_338 {strides = array<i32>} : memref<128x128xf32, #tpu.memory_space<vmem>>, vector<1x16xf32>,
        %get3A_339 = arith.index_cast %scan3A_268 : i32 to index
        %get3A_340 = arith.constant 96 : index
        %get3A_341 = tpu.vector_load %arg7[%get3A_339, %get3A_340] {strides = array<i32>} : memref<128x128xf32, #tpu.memory_space<vmem>>, vector<1x16xf32>,
        %get3A_342 = vector.shape_cast %get3A_341 : vector<1x16xf32> to vector<16xf32>
        %mul3A_343 = arith.constant 11.3137083 : f32
        %mul3A_344 = vector.broadcast %mul3A_343 : f32 to vector<16xf32>
        %mul3A_345 = arith.mulf %get3A_342, %mul3A_344 : vector<16xf32>
        %swap3A_346 = arith.index_cast %scan3A_268 : i32 to index
        %swap3A_347 = arith.constant 96 : index
        %swap3A_348 = tpu.vector_load %arg9[%swap3A_346, %swap3A_347] {strides = array<i32>} : memref<128x128xf32, #tpu.memory_space<vmem>>, vector<1x16xf32>,
        %swap3A_349 = vector.shape_cast %swap3A_348 : vector<1x16xf32> to vector<16xf32>
        %swap3A_350 = vector.shape_cast %mul3A_345 : vector<16xf32> to vector<1x16xf32>
        tpu.vector_store %arg9[%swap3A_346, %swap3A_347], %swap3A_350 {strides = array<i32>} : memref<128x128xf32, #tpu.memory_space<vmem>>, vector<1x16xf32>,
        %get3A_351 = arith.index_cast %scan3A_268 : i32 to index
        %get3A_352 = arith.constant 112 : index
        %get3A_353 = tpu.vector_load %arg7[%get3A_351, %get3A_352] {strides = array<i32>} : memref<128x128xf32, #tpu.memory_space<vmem>>, vector<1x16xf32>,
        %get3A_354 = vector.shape_cast %get3A_353 : vector<1x16xf32> to vector<16xf32>
        %mul3A_355 = arith.constant 11.3137083 : f32
        %mul3A_356 = vector.broadcast %mul3A_355 : f32 to vector<16xf32>
        %mul3A_357 = arith.mulf %get3A_354, %mul3A_356 : vector<16xf32>
        %swap3A_358 = arith.index_cast %scan3A_268 : i32 to index
        %swap3A_359 = arith.constant 112 : index
        %swap3A_360 = tpu.vector_load %arg9[%swap3A_358, %swap3A_359] {strides = array<i32>} : memref<128x128xf32, #tpu.memory_space<vmem>>, vector<1x16xf32>,
        %swap3A_361 = vector.shape_cast %swap3A_360 : vector<1x16xf32> to vector<16xf32>
        %swap3A_362 = vector.shape_cast %mul3A_357 : vector<16xf32> to vector<1x16xf32>
        tpu.vector_store %arg9[%swap3A_358, %swap3A_359], %swap3A_362 {strides = array<i32>} : memref<128x128xf32, #tpu.memory_space<vmem>>, vector<1x16xf32>,
      }
      %scan3A_209 = arith.constant 128 : i32
      %add3A_210 = arith.constant 2 : i32
      %add3A_211 = arith.addi %add3A_192, %add3A_210 : i32
      %lt3A_212 = arith.constant 50 : i32
      %lt3A_213 = arith.cmpi slt, %add3A_211, %lt3A_212 : i32
      %convert_element_type3A_214 = arith.extui %lt3A_213 : i1 to i32
      %cond3A_215 = arith.constant 0 : i32
      %cond3A_216 = arith.cmpi ne, %convert_element_type3A_214, %cond3A_215 : i32
      scf.if %cond3A_216 {
        %add3A_268 = arith.constant 2 : i32
        %add3A_269 = arith.addi %add3A_192, %add3A_268 : i32
        %dma_start3A_270 = arith.constant 0 : i32
        %dma_start3A_271 = tpu.memref_slice %arg5[%add3A_269, %dma_start3A_270] : memref<50x128xi32, #tpu.memory_space<vmem>> -> memref<1x128xi32, #tpu.memory_space<vmem>>
        %dma_start3A_272 = tpu.memref_squeeze %dma_start3A_271 : memref<1x128xi32, #tpu.memory_space<vmem>> -> memref<128xi32, #tpu.memory_space<vmem>>
        %dma_start3A_273 = arith.constant 0 : i32
        %dma_start3A_274 = arith.constant 0 : i32
        %dma_start3A_275 = tpu.memref_slice %arg3[%dma_start3A_273, %dma_start3A_274] : memref<100000x128xf32, #tpu.memory_space<hbm>> -> memref<100000x128xf32, #tpu.memory_space<hbm>>
        tpu.enqueue_indirect_dma source(%dma_start3A_275 : memref<100000x128xf32, #tpu.memory_space<hbm>>) target(%arg7 : memref<128x128xf32, #tpu.memory_space<vmem>>) offsets(%dma_start3A_272 : memref<128xi32, #tpu.memory_space<vmem>>) semaphore(%arg11 : memref<!tpu.dma_semaphore, #tpu.memory_space<semaphore_mem>>)
      } else {
      }
      %mul3A_217 = arith.constant 50 : i32
      %mul3A_218 = arith.muli %add3A, %mul3A_217 : i32
      %add3A_219 = arith.addi %mul3A_218, %add3A_192 : i32
      %jit3A_220 = arith.constant 32 : i32
      %div3A_221 = arith.divsi %add3A_219, %jit3A_220 : i32
      %sign3A_222 = arith.constant 0 : i32
      %sign3A_223 = arith.cmpi sgt, %add3A_219, %sign3A_222 : i32
      %sign3A_224 = arith.extui %sign3A_223 : i1 to i32
      %sign3A_225 = arith.constant 0 : i32
      %sign3A_226 = arith.cmpi slt, %add3A_219, %sign3A_225 : i32
      %sign3A_227 = arith.extui %sign3A_226 : i1 to i32
      %sign3A_228 = arith.subi %sign3A_224, %sign3A_227 : i32
      %sign3A_229 = arith.constant 0 : i32
      %sign3A_230 = arith.cmpi sgt, %jit3A_220, %sign3A_229 : i32
      %sign3A_231 = arith.extui %sign3A_230 : i1 to i32
      %sign3A_232 = arith.constant 0 : i32
      %sign3A_233 = arith.cmpi slt, %jit3A_220, %sign3A_232 : i32
      %sign3A_234 = arith.extui %sign3A_233 : i1 to i32
      %sign3A_235 = arith.subi %sign3A_231, %sign3A_234 : i32
      %ne3A_236 = arith.cmpi ne, %sign3A_228, %sign3A_235 : i32
      %rem3A_237 = arith.remsi %add3A_219, %jit3A_220 : i32
      %ne3A_238 = arith.constant 0 : i32
      %ne3A_239 = arith.cmpi ne, %rem3A_237, %ne3A_238 : i32
      %and3A_240 = arith.andi %ne3A_236, %ne3A_239 : i1
      %sub3A_241 = arith.constant 1 : i32
      %sub3A_242 = arith.subi %div3A_221, %sub3A_241 : i32
      %select_n3A_243 = arith.select %and3A_240, %sub3A_242, %div3A_221 : i32
      %jit3A_244 = arith.constant 32 : i32
      %eq3A_245 = arith.constant 0 : i32
      %eq3A_246 = arith.cmpi eq, %jit3A_244, %eq3A_245 : i32
      %jit3A_247 = arith.constant 1 : i32
      %select_n3A_248 = arith.select %eq3A_246, %jit3A_247, %jit3A_244 : i32
      %rem3A_249 = arith.remsi %add3A_219, %select_n3A_248 : i32
      %ne3A_250 = arith.constant 0 : i32
      %ne3A_251 = arith.cmpi ne, %rem3A_249, %ne3A_250 : i32
      %lt3A_252 = arith.constant 0 : i32
      %lt3A_253 = arith.cmpi slt, %rem3A_249, %lt3A_252 : i32
      %lt3A_254 = arith.constant 0 : i32
      %lt3A_255 = arith.cmpi slt, %select_n3A_248, %lt3A_254 : i32
      %ne3A_256 = arith.xori %lt3A_253, %lt3A_255 : i1
      %and3A_257 = arith.andi %ne3A_256, %ne3A_251 : i1
      %add3A_258 = arith.addi %rem3A_249, %select_n3A_248 : i32
      %select_n3A_259 = arith.select %and3A_257, %add3A_258, %rem3A_249 : i32
      %mul3A_260 = arith.constant 128 : i32
      %mul3A_261 = arith.muli %select_n3A_259, %mul3A_260 : i32
      %dma_start3A_262 = arith.constant 0 : i32
      %dma_start3A_263 = tpu.memref_slice %arg4[%select_n3A_243, %mul3A_261, %dma_start3A_262] : memref<50x4096x128xf32, #tpu.memory_space<hbm>> -> memref<1x128x128xf32, #tpu.memory_space<hbm>>
      %dma_start3A_264 = tpu.memref_squeeze %dma_start3A_263 : memref<1x128x128xf32, #tpu.memory_space<hbm>> -> memref<128x128xf32, #tpu.memory_space<hbm>>
      %dma_start3A_265 = arith.constant 0 : i32
      %dma_start3A_266 = tpu.memref_slice %arg4[%select_n3A_243, %mul3A_261, %dma_start3A_265] : memref<50x4096x128xf32, #tpu.memory_space<hbm>> -> memref<1x128x128xf32, #tpu.memory_space<hbm>>
      %dma_start3A_267 = tpu.memref_squeeze %dma_start3A_266 : memref<1x128x128xf32, #tpu.memory_space<hbm>> -> memref<128x128xf32, #tpu.memory_space<hbm>>
      tpu.enqueue_dma source(%arg9 : memref<128x128xf32, #tpu.memory_space<vmem>>) target(%dma_start3A_267 : memref<128x128xf32, #tpu.memory_space<hbm>>) target_semaphore(%arg13 : memref<!tpu.dma_semaphore, #tpu.memory_space<semaphore_mem>>)
    }
    %scan3A_18 = arith.constant 25 : i32
    %mul3A_19 = arith.constant 50 : i32
    %mul3A_20 = arith.muli %add3A, %mul3A_19 : i32
    %add3A_21 = arith.constant 48 : i32
    %add3A_22 = arith.addi %mul3A_20, %add3A_21 : i32
    %jit3A = arith.constant 32 : i32
    %div3A = arith.divsi %add3A_22, %jit3A : i32
    %sign3A = arith.constant 0 : i32
    %sign3A_23 = arith.cmpi sgt, %add3A_22, %sign3A : i32
    %sign3A_24 = arith.extui %sign3A_23 : i1 to i32
    %sign3A_25 = arith.constant 0 : i32
    %sign3A_26 = arith.cmpi slt, %add3A_22, %sign3A_25 : i32
    %sign3A_27 = arith.extui %sign3A_26 : i1 to i32
    %sign3A_28 = arith.subi %sign3A_24, %sign3A_27 : i32
    %sign3A_29 = arith.constant 0 : i32
    %sign3A_30 = arith.cmpi sgt, %jit3A, %sign3A_29 : i32
    %sign3A_31 = arith.extui %sign3A_30 : i1 to i32
    %sign3A_32 = arith.constant 0 : i32
    %sign3A_33 = arith.cmpi slt, %jit3A, %sign3A_32 : i32
    %sign3A_34 = arith.extui %sign3A_33 : i1 to i32
    %sign3A_35 = arith.subi %sign3A_31, %sign3A_34 : i32
    %ne3A = arith.cmpi ne, %sign3A_28, %sign3A_35 : i32
    %rem3A = arith.remsi %add3A_22, %jit3A : i32
    %ne3A_36 = arith.constant 0 : i32
    %ne3A_37 = arith.cmpi ne, %rem3A, %ne3A_36 : i32
    %and3A = arith.andi %ne3A, %ne3A_37 : i1
    %sub3A = arith.constant 1 : i32
    %sub3A_38 = arith.subi %div3A, %sub3A : i32
    %select_n3A = arith.select %and3A, %sub3A_38, %div3A : i32
    %jit3A_39 = arith.constant 32 : i32
    %eq3A = arith.constant 0 : i32
    %eq3A_40 = arith.cmpi eq, %jit3A_39, %eq3A : i32
    %jit3A_41 = arith.constant 1 : i32
    %select_n3A_42 = arith.select %eq3A_40, %jit3A_41, %jit3A_39 : i32
    %rem3A_43 = arith.remsi %add3A_22, %select_n3A_42 : i32
    %ne3A_44 = arith.constant 0 : i32
    %ne3A_45 = arith.cmpi ne, %rem3A_43, %ne3A_44 : i32
    %lt3A = arith.constant 0 : i32
    %lt3A_46 = arith.cmpi slt, %rem3A_43, %lt3A : i32
    %lt3A_47 = arith.constant 0 : i32
    %lt3A_48 = arith.cmpi slt, %select_n3A_42, %lt3A_47 : i32
    %ne3A_49 = arith.xori %lt3A_46, %lt3A_48 : i1
    %and3A_50 = arith.andi %ne3A_49, %ne3A_45 : i1
    %add3A_51 = arith.addi %rem3A_43, %select_n3A_42 : i32
    %select_n3A_52 = arith.select %and3A_50, %add3A_51, %rem3A_43 : i32
    %mul3A_53 = arith.constant 128 : i32
    %mul3A_54 = arith.muli %select_n3A_52, %mul3A_53 : i32
    %dma_wait3A = arith.constant 0 : i32
    %dma_wait3A_55 = tpu.memref_slice %arg4[%select_n3A, %mul3A_54, %dma_wait3A] : memref<50x4096x128xf32, #tpu.memory_space<hbm>> -> memref<1x128x128xf32, #tpu.memory_space<hbm>>
    %dma_wait3A_56 = tpu.memref_squeeze %dma_wait3A_55 : memref<1x128x128xf32, #tpu.memory_space<hbm>> -> memref<128x128xf32, #tpu.memory_space<hbm>>
    %dma_wait3A_57 = arith.constant 0 : i32
    %dma_wait3A_58 = tpu.memref_slice %arg4[%select_n3A, %mul3A_54, %dma_wait3A_57] : memref<50x4096x128xf32, #tpu.memory_space<hbm>> -> memref<1x128x128xf32, #tpu.memory_space<hbm>>
    %dma_wait3A_59 = tpu.memref_squeeze %dma_wait3A_58 : memref<1x128x128xf32, #tpu.memory_space<hbm>> -> memref<128x128xf32, #tpu.memory_space<hbm>>
    tpu.wait_dma2 semaphore(%arg12 : memref<!tpu.dma_semaphore, #tpu.memory_space<semaphore_mem>>) src(%arg8 : memref<128x128xf32, #tpu.memory_space<vmem>>) dst(%dma_wait3A_59 : memref<128x128xf32, #tpu.memory_space<hbm>>)
    %mul3A_60 = arith.constant 50 : i32
    %mul3A_61 = arith.muli %add3A, %mul3A_60 : i32
    %add3A_62 = arith.constant 49 : i32
    %add3A_63 = arith.addi %mul3A_61, %add3A_62 : i32
    %jit3A_64 = arith.constant 32 : i32
    %div3A_65 = arith.divsi %add3A_63, %jit3A_64 : i32
    %sign3A_66 = arith.constant 0 : i32
    %sign3A_67 = arith.cmpi sgt, %add3A_63, %sign3A_66 : i32
    %sign3A_68 = arith.extui %sign3A_67 : i1 to i32
    %sign3A_69 = arith.constant 0 : i32
    %sign3A_70 = arith.cmpi slt, %add3A_63, %sign3A_69 : i32
    %sign3A_71 = arith.extui %sign3A_70 : i1 to i32
    %sign3A_72 = arith.subi %sign3A_68, %sign3A_71 : i32
    %sign3A_73 = arith.constant 0 : i32
    %sign3A_74 = arith.cmpi sgt, %jit3A_64, %sign3A_73 : i32
    %sign3A_75 = arith.extui %sign3A_74 : i1 to i32
    %sign3A_76 = arith.constant 0 : i32
    %sign3A_77 = arith.cmpi slt, %jit3A_64, %sign3A_76 : i32
    %sign3A_78 = arith.extui %sign3A_77 : i1 to i32
    %sign3A_79 = arith.subi %sign3A_75, %sign3A_78 : i32
    %ne3A_80 = arith.cmpi ne, %sign3A_72, %sign3A_79 : i32
    %rem3A_81 = arith.remsi %add3A_63, %jit3A_64 : i32
    %ne3A_82 = arith.constant 0 : i32
    %ne3A_83 = arith.cmpi ne, %rem3A_81, %ne3A_82 : i32
    %and3A_84 = arith.andi %ne3A_80, %ne3A_83 : i1
    %sub3A_85 = arith.constant 1 : i32
    %sub3A_86 = arith.subi %div3A_65, %sub3A_85 : i32
    %select_n3A_87 = arith.select %and3A_84, %sub3A_86, %div3A_65 : i32
    %jit3A_88 = arith.constant 32 : i32
    %eq3A_89 = arith.constant 0 : i32
    %eq3A_90 = arith.cmpi eq, %jit3A_88, %eq3A_89 : i32
    %jit3A_91 = arith.constant 1 : i32
    %select_n3A_92 = arith.select %eq3A_90, %jit3A_91, %jit3A_88 : i32
    %rem3A_93 = arith.remsi %add3A_63, %select_n3A_92 : i32
    %ne3A_94 = arith.constant 0 : i32
    %ne3A_95 = arith.cmpi ne, %rem3A_93, %ne3A_94 : i32
    %lt3A_96 = arith.constant 0 : i32
    %lt3A_97 = arith.cmpi slt, %rem3A_93, %lt3A_96 : i32
    %lt3A_98 = arith.constant 0 : i32
    %lt3A_99 = arith.cmpi slt, %select_n3A_92, %lt3A_98 : i32
    %ne3A_100 = arith.xori %lt3A_97, %lt3A_99 : i1
    %and3A_101 = arith.andi %ne3A_100, %ne3A_95 : i1
    %add3A_102 = arith.addi %rem3A_93, %select_n3A_92 : i32
    %select_n3A_103 = arith.select %and3A_101, %add3A_102, %rem3A_93 : i32
    %mul3A_104 = arith.constant 128 : i32
    %mul3A_105 = arith.muli %select_n3A_103, %mul3A_104 : i32
    %dma_wait3A_106 = arith.constant 0 : i32
    %dma_wait3A_107 = tpu.memref_slice %arg4[%select_n3A_87, %mul3A_105, %dma_wait3A_106] : memref<50x4096x128xf32, #tpu.memory_space<hbm>> -> memref<1x128x128xf32, #tpu.memory_space<hbm>>
    %dma_wait3A_108 = tpu.memref_squeeze %dma_wait3A_107 : memref<1x128x128xf32, #tpu.memory_space<hbm>> -> memref<128x128xf32, #tpu.memory_space<hbm>>
    %dma_wait3A_109 = arith.constant 0 : i32
    %dma_wait3A_110 = tpu.memref_slice %arg4[%select_n3A_87, %mul3A_105, %dma_wait3A_109] : memref<50x4096x128xf32, #tpu.memory_space<hbm>> -> memref<1x128x128xf32, #tpu.memory_space<hbm>>
    %dma_wait3A_111 = tpu.memref_squeeze %dma_wait3A_110 : memref<1x128x128xf32, #tpu.memory_space<hbm>> -> memref<128x128xf32, #tpu.memory_space<hbm>>
    tpu.wait_dma2 semaphore(%arg13 : memref<!tpu.dma_semaphore, #tpu.memory_space<semaphore_mem>>) src(%arg9 : memref<128x128xf32, #tpu.memory_space<vmem>>) dst(%dma_wait3A_111 : memref<128x128xf32, #tpu.memory_space<hbm>>)
    return
  }
}

</mosaic_0001>

<sc_bundles>
// kernel: kernel.3.cloned.1.call-start
scs
__scs_entry_jumppad:
0x0: {  	(pc) =	sbr.rel $0x88, $3  }
0x1: {  	(tag) =	ssettag $0x0;
	lr =	simm.s32 $0x1  }
0x2: {  	[smem:$0x3F9F] =	sst lr;
	_ =	strace $0xD0000000  }
0x3: {  	_ = 	snop  }
0x4: {  	_ = 	snop  }
0x5: {  	_ = 	snop  }
0x6: {  	_ = 	snop  }
0x7: {  	_ = 	snop  }
__scs_overlays_trampoline_lowered:
0x8: {  	[smem:$0x3FAE] =	sst s0  }
0x9: {  	[smem:$0x3FAF] =	sst s1  }
0xa: {  	[smem:$0x3FB0] =	sst s2  }
0xb: {  	[smem:$0x3FB1] =	sst s3  }
0xc: {  	[smem:$0x3FB2] =	sst s4  }
0xd: {  	[smem:$0x3FB3] =	sst s5  }
0xe: {  	[smem:$0x3FB4] =	sst s6  }
0xf: {  	[smem:$0x3FB5] =	sst s7  }
0x10: {  	[smem:$0x3FB6] =	sst s8  }
0x11: {  	[smem:$0x3FB7] =	sst s9;
	s0 =	simm.s32 @!p0 $0x0  }
0x12: {  	s1 =	sld [smem:$0x3F9D];
	s0 =	simm.s32 @p0 $0x1  }
0x13: {  	[smem:$0x3FB8] =	sst s0;
	s0 =	simm.s32 @!p1 $0x0  }
0x14: {  	s2 =	sld [smem:$0x3F9C];
	s0 =	simm.s32 @p1 $0x1  }
0x15: {  	[smem:$0x3FB9] =	sst s0;
	s0 =	simm.s32 @!p2 $0x0  }
0x16: {  	s3 =	sld [smem:$0x3FDB];
	s0 =	simm.s32 @p2 $0x1  }
0x17: {  	s4 =	simm.s32 $0x1BF5;
	[smem:$0x3FBB] =	sst s0  }
0x18: {  	s0 =	sld [smem:$0x3F9E];
	_ =	swait.ge [sflag:s4], $0x0  }
0x19: {  	s7 =	sld [smem:$0x3F9F]  }
0x1a: {  	s8 =	sadd.s32 $0xFFFFE003, lr  }
0x1b: {  	s9 =	sadd.s32 $0xFFFFFEF7, lr;
	s5 =	simm.s32 $0xFFFFFFFF;
	p2 =	slt.u32 s8, $0xFFFFF086  }
0x1c: {  	p1 =	slt.u32 s9, $0xF7A;
	s5 =	simm.s32 @!p2 $0x0  }
0x1d: {  	s5 =	simm.s32 @p1 $0x1;
	p0 =	seq.s32 s7, s2  }
0x1e: {  	s7 =	smul.u32 @!p0 $0xF7A, s2;
	p2 =	seq.s32 @!p0 s5, $0x0  }
0x1f: {  	s9 =	smul.u32 $0xF7A, s1;
	s8 =	simm.s32 @!p0 $0x1BF5;
	p2 =	por !p2, p0  }
0x20: {  	[sflag:s8] =	ssyncset.s32 @!p0 $0xFFFFF086;
	s6 =	sadd.s32 @!p0 s3, s7;
	s7 =	simm.s32 @!p0 $0x108  }
0x21: {  	s3 =	sadd.s32 s3, s9;
	s6 =	sadd.s32 @!p0 $0x88, s6;
	s7 =	simm.s32 @p2 $0x1082  }
0x22: {  	[simem:s7], [sflag:s8] =	dma.local @!p0 [hbm:s6], $0xF7A  }
0x23: {  	s9 =	sor.u32 $0xD0000000, s2;
	s6 =	simm.s32 $0x108;
	_ =	swait.ge @!p0 [sflag:s8], $0x0  }
0x24: {  	s3 =	sadd.s32 $0x88, s3;
	s6 =	simm.s32 @!p1 $0x1082;
	[sflag:s4] =	ssyncset.s32 $0xFFFFF086  }
0x25: {  	[simem:s6], [sflag:s4] =	dma.local [hbm:s3], $0xF7A  }
0x26: {  	[smem:$0x3F9F] =	sst s1;
	(tag) =	ssettag s2;
	_ =	strace s9  }
0x27: {  	s1 =	sld [smem:$0x3FAF]  }
0x28: {  	s2 =	sld [smem:$0x3FB0]  }
0x29: {  	s4 =	sld [smem:$0x3FB2]  }
0x2a: {  	p0 =	seq.s32 s5, $0x0;
	s5 =	sld [smem:$0x3FB3]  }
0x2b: {  	s6 =	sld [smem:$0x3FB4]  }
0x2c: {  	s7 =	sld [smem:$0x3FB5]  }
0x2d: {  	s3 =	simm.s32 $0x108;
	s8 =	sld [smem:$0x3FB6]  }
0x2e: {  	s3 =	simm.s32 @!p0 $0x1082;
	s9 =	sld [smem:$0x3FB7]  }
0x2f: {  	lr =	sadd.s32 s0, s3;
	s0 =	sld [smem:$0x3FAE]  }
0x30: {  	s3 =	sld [smem:$0x3FB1]  }
0x31: {  	[smem:$0x3FBA] =	sst s10  }
0x32: {  	s10 =	sld [smem:$0x3FB8];
	_ =	sdelay $0x3  }
0x33: {  	p0 =	seq.s32 s10, $0x1;
	s10 =	sld [smem:$0x3FBA];
	_ =	sdelay $0x3  }
0x34: {  	[smem:$0x3FBA] =	sst s10  }
0x35: {  	s10 =	sld [smem:$0x3FB9];
	_ =	sdelay $0x3  }
0x36: {  	p1 =	seq.s32 s10, $0x1;
	s10 =	sld [smem:$0x3FBA];
	_ =	sdelay $0x3  }
0x37: {  	[smem:$0x3FBA] =	sst s10  }
0x38: {  	s10 =	sld [smem:$0x3FBB]  }
0x39: {  	_ = 	snop;
	(pc) =	sbr.ind lr, $3  }
0x3a: {  	_ = 	snop  }
0x3b: {  	_ = 	snop  }
0x3c: {  	p2 =	seq.s32 s10, $0x1;
	s10 =	sld [smem:$0x3FBA]  }
0x3d: {  	_ =	shalt  }
0x3e: {  	_ =	shalt  }
0x3f: {  	_ =	shalt  }
0x40: {  	_ =	shalt  }
0x41: {  	_ =	shalt  }
0x42: {  	_ =	shalt  }
0x43: {  	_ =	shalt  }
0x44: {  	_ =	shalt  }
0x45: {  	_ =	shalt  }
0x46: {  	_ =	shalt  }
0x47: {  	_ =	shalt  }
0x48: {  	_ =	shalt  }
0x49: {  	_ =	shalt  }
0x4a: {  	_ =	shalt  }
0x4b: {  	_ =	shalt  }
0x4c: {  	_ =	shalt  }
0x4d: {  	_ =	shalt  }
0x4e: {  	_ =	shalt  }
0x4f: {  	_ =	shalt  }
0x50: {  	_ =	shalt  }
0x51: {  	_ =	shalt  }
0x52: {  	_ =	shalt  }
0x53: {  	_ =	shalt  }
0x54: {  	_ =	shalt  }
0x55: {  	_ =	shalt  }
0x56: {  	_ =	shalt  }
0x57: {  	_ =	shalt  }
0x58: {  	_ =	shalt  }
0x59: {  	_ =	shalt  }
0x5a: {  	_ =	shalt  }
0x5b: {  	_ =	shalt  }
0x5c: {  	_ =	shalt  }
0x5d: {  	_ =	shalt  }
0x5e: {  	_ =	shalt  }
0x5f: {  	_ =	shalt  }
0x60: {  	_ =	shalt  }
0x61: {  	_ =	shalt  }
0x62: {  	_ =	shalt  }
0x63: {  	_ =	shalt  }
0x64: {  	_ =	shalt  }
0x65: {  	_ =	shalt  }
0x66: {  	_ =	shalt  }
0x67: {  	_ =	shalt  }
0x68: {  	_ =	shalt  }
0x69: {  	_ =	shalt  }
0x6a: {  	_ =	shalt  }
0x6b: {  	_ =	shalt  }
0x6c: {  	_ =	shalt  }
0x6d: {  	_ =	shalt  }
0x6e: {  	_ =	shalt  }
0x6f: {  	_ =	shalt  }
0x70: {  	_ =	shalt  }
0x71: {  	_ =	shalt  }
0x72: {  	_ =	shalt  }
0x73: {  	_ =	shalt  }
0x74: {  	_ =	shalt  }
0x75: {  	_ =	shalt  }
0x76: {  	_ =	shalt  }
0x77: {  	_ =	shalt  }
0x78: {  	_ =	shalt  }
0x79: {  	_ =	shalt  }
0x7a: {  	_ =	shalt  }
0x7b: {  	_ =	shalt  }
0x7c: {  	_ =	shalt  }
0x7d: {  	_ =	shalt  }
0x7e: {  	_ =	shalt  }
0x7f: {  	_ =	shalt  }
0x80: {  	_ =	shalt  }
0x81: {  	_ =	shalt  }
0x82: {  	_ =	shalt  }
0x83: {  	_ =	shalt  }
0x84: {  	_ =	shalt  }
0x85: {  	_ =	shalt  }
0x86: {  	_ =	shalt  }
0x87: {  	_ =	shalt  }
.Lfunc_end0:
.L_simem_size_0:
called_computation_lowered:
.L_overlay_start_0:
0x88: {  	s2 =	sld [smem:$0x3FD9]  }
0x89: {  	s3 =	sld [smem:$0x3FFE];
	_ =	sdelay $0x1  }
0x8a: {  	s1 =	srdreg.scid  }
0x8b: {  	s0 =	sand.u32 $0x1, s1  }
0x8c: {  	s17 =	sshll.u32 s0, $0xA;
	s2 =	sadd.s32 s3, s2  }
0x8d: {  	s2 =	sadd.s32 s2, s17  }
0x8e: {  	[smem:$0x3FC6] =	sst s2  }
0x8f: {  	_ = 	snop  }
0x90: {  	s2 =	sld [smem:$0x3FC8]  }
0x91: {  	s18 =	sld [smem:$0x3FD0];
	(tm) =	ssettm $0x1  }
0x92: {  	s4 =	sld [smem:$0x3FFB];
	_ =	sdelay $0x3  }
0x93: {  	_ =	strace s4  }
0x94: {  	s4 =	sld [smem:$0x3FFC];
	_ =	sdelay $0x3  }
0x95: {  	_ =	strace s4  }
0x96: {  	s4 =	sld [smem:$0x3FFD];
	_ =	sdelay $0x3  }
0x97: {  	_ =	strace s4  }
0x98: {  	_ =	strace $0x8FFFFFFF  }
0x99: {  	s19 =	sld [smem:$0x3FDB];
	_ =	sdelay $0x1  }
0x9a: {  	s5 =	simm.s32 $_scs_section_size  }
0x9b: {  	s6 =	simm.s32 $_size__tile_overlayer_lowered;
	s7 =	simm.s32 $_tile_overlayer_lowered  }
0x9c: {  	s22 =	simm.s32 $0x1BFF;
	s21 =	sshll.u32 s7, $0x1;
	s4 =	sadd.s32 s5, s19  }
0x9d: {  	s8 =	simm.s32 $0x0;
	s20 =	sshll.u32 s6, $0x1;
	s6 =	sadd.s32 s21, s4  }
0x9e: {  	[timem:s8], [sflag:s22] =	dma.local [hbm:s6], s20  }
0x9f: {  	_ =	swait.ge [sflag:s22], s20  }
0xa0: {  	s5 =	ssub.s32 $0x0, s20;
	[sflag:s22] =	ssyncset.done $0x0  }
0xa1: {  	[sflag:s22] =	ssyncadd.s32 s5;
	_ =	sdelay $0x1  }
0xa2: {  	s23 =	simm.s32 $0x1B8B  }
0xa3: {  	_ =	swait.ge [sflag:s23], $0x1  }
0xa4: {  	[sflag:s23] =	ssyncset.done $0x0  }
0xa5: {  	s25 =	simm.s32 $0x1B8E;
	s24 =	sld [smem:$0x3FFE];
	[sflag:s23] =	ssyncadd.s32 $0xFFFFFFFF  }
0xa6: {  	s26 =	simm.s32 $execute0_lowered;
	[smem:$0x3FD2] =	sst s25  }
0xa7: {  	s6 =	sshll.u32 s26, $0x1;
	_ =	strace $0x80000046;
	[dreg:$0x1] =	wrdreg $0xFFFFFFFF  }
0xa8: {  	s28 =	simm.s32 $_size_execute0_lowered;
	s4 =	sadd.s32 s4, s6;
	[dreg:$0x0] =	wrdreg $0x0  }
0xa9: {  	s6 =	sshll.u32 s28, $0x1;
	[dreg:$0x2] =	wrdreg s4  }
0xaa: {  	[dreg:$0x3] =	wrdreg s6  }
0xab: {  	[dreg:$0x4] =	wrdreg $0xC0  }
0xac: {  	_ =	task [dreg:s8], $0x5FFFF  }
0xad: {  	[dreg:$0x1] =	wrdreg $0xFFFFFFFF  }
0xae: {  	[dreg:$0x0] =	wrdreg $0x60  }
0xaf: {  	[dreg:$0x2] =	wrdreg s24  }
0xb0: {  	[dreg:$0x3] =	wrdreg s2  }
0xb1: {  	[dreg:$0x4] =	wrdreg s18  }
0xb2: {  	[dreg:$0x5] =	wrdreg $0x9  }
0xb3: {  	_ =	task.clear_ibuf [dreg:s8], $0x6FFFF;
	_ =	strace $0x90000046  }
0xb4: {  	s29 =	simm.s32 $0x9;
	_ =	strace $0x80000048  }
0xb5: {  	_ =	swait.ge [sflag:s29], $0x1  }
0xb6: {  	[sflag:s29] =	ssyncadd.s32 $0xFFFFFFFF  }
0xb7: {  	_ =	strace $0x90000048  }
0xb8: {  	_ =	sfence  }
0xb9: {  	s30 =	sld [smem:$0x0];
	_ =	sdelay $0x2  }
0xba: {  	s31 =	sshll.u32 s1, $0xD;
	s1 =	sshrl.u32 s1, $0x2  }
0xbb: {  	s3 =	sand.u32 $0x4000, s31;
	s1 =	sadd.s32 s1, s30  }
0xbc: {  	s0 =	sor.u32 s3, s0;
	s1 =	sshll.u32 s1, $0x11  }
0xbd: {  	s0 =	sor.u32 s1, s0  }
0xbe: {  	s0 =	sadd.s32 $0x8F2B, s0  }
0xbf: {  	[sflag:s0] =	ssyncadd.remote.s32 $0x1  }
0xc0: {  	_ =	sfence.sel $0xFFFF  }
0xc1: {  	[dreg:$0x0] =	wrdreg $0xFFFFFFFF;
	(pc) =	sbr.abs _section_cstart, $3  }
0xc2: {  	[dreg:$0x1] =	wrdreg $0xFFFFFFFF  }
0xc3: {  	_ =	task.clear_ibuf [dreg:s8], $0x2FFFF;
	_ =	strace $0x9FFFFFFF  }
0xc4: {  	(tm) =	ssettm $0x7FFFFFFF  }
0xc5: {  	_ =	shalt  }
tec
execute0_lowered:
.L_overlay_start_1:
0x0: {  	(tag) =	ssettag $0x1  }
0x1: {  	s6 =	rddreg [dreg:$0x0]  }
0x2: {  	s1 =	srdreg.scid;
	s2 =	rddreg [dreg:$0x1]  }
0x3: {  	s0 =	stileid.u32;
	s3 =	rddreg [dreg:$0x2]  }
0x4: {  	s4 =	simm.s32 $0x0;
	s10 =	simm.s32 $0x80;
	s11 =	simm.s32 $0x1C00  }
0x5: {  	s12 =	simm.s32 $0x5C00;
	s13 =	simm.s32 $0x1;
	s14 =	simm.s32 $0x9C00  }
0x6: {  	s15 =	simm.s32 $0x2;
	s16 =	simm.s32 $0xDC00;
	s17 =	simm.s32 $0x3  }
0x7: {  	s18 =	simm.s32 $0x4;
	s5 =	sand.u32 $0x1, s1;
	s29 =	sshll.u32 s0, $0x1  }
0x8: {  	s19 =	simm.s32 $0x0;
	s1 =	rddreg [dreg:$0x3];
	s7 =	sor.u32 s5, s29  }
0x9: {  	[smem:$0x7FF] =	sst s4;
	s9 =	ssub.s32 $0x2, s5;
	s8 =	smul.u32 $0x380, s7  }
0xa: {  	_ =	strace $0x80000047;
	s5 =	smul.u32 $0x32, s7;
	s30 =	sshrl.u32 s9, $0x1  }
0xb: {  	s31 =	ssub.s32 s9, s30;
	s9 =	simm.s32 $0x5;
	s6 =	sadd.s32 s8, s6  }
0xc: {  	s7 =	sor.u32 $0x1, s5;
	s8 =	smax.u32 s31, $0x1;
	s6 =	sadd.s32 $0x400, s6  }
.LBB2_1:
0xd: {  	[tilespmem:s4], [sflag:$0x5] =	stream.linear.gather [hbm4b:s6+s4], $0x1900, $0x38;
	[tilespmem:$0x11C00] =	vst v63  }
0xe: {  	_ =	swait.ge [sflag:s9], $0x1900  }
0xf: {  	[sflag:s9] =	ssyncset.done $0x0  }
0x10: {  	[sflag:s9] =	ssyncadd.s32 $0xFFFFE700  }
0x11: {  	[tilespmem:s11], [sflag:$0x1] =	stream.indirect.gather [hbm4b:s2+s10], $0x80, s4, s10, $0xb8;
	[tilespmem:$0x11C00] =	vst v63  }
0x12: {  	s20 =	simm.s32 $0x0  }
0x13: {  	[tilespmem:s12], [sflag:$0x2] =	stream.indirect.gather [hbm4b:s2+s10], $0x80, s10, s10, $0xb8;
	[tilespmem:$0x11C00] =	vst v63  }
.LBB2_2:
0x14: {  	_ =	swait.ge [sflag:s13], $0x4000  }
0x15: {  	p1 =	seq.s32 s20, $0x0;
	[sflag:s13] =	ssyncset.done $0x0  }
0x16: {  	s21 =	simm.s32 @!p1 $0x3;
	[sflag:s13] =	ssyncadd.s32 $0xFFFFC000  }
0x17: {  	_ =	swait.ge @!p1 [sflag:s21], $0x4000  }
0x18: {  	[sflag:s21] =	ssyncset.done @!p1 $0x0  }
0x19: {  	s22 =	simm.s32 $0x0;
	[sflag:s21] =	ssyncadd.s32 @!p1 $0xFFFFC000  }
0x1a: {  	v1 =	vld [tilespmem:s22+$0x1C70]  }
0x1b: {  	v5 =	vld [tilespmem:s22+$0x1C00]  }
0x1c: {  	v6 =	vld [tilespmem:s22+$0x1C10]  }
0x1d: {  	v4 =	vld [tilespmem:s22+$0x1C20]  }
0x1e: {  	v3 =	vld [tilespmem:s22+$0x1C30]  }
0x1f: {  	v0 =	vld [tilespmem:s22+$0x1C40];
	v7 =	vmul.f32 $1.131370830e+01, v1  }
0x20: {  	v1 =	vld [tilespmem:s22+$0x1C50];
	v5 =	vmul.f32 $1.131370830e+01, v5  }
0x21: {  	s23 =	simm.s32 $0x80;
	s24 =	simm.s32 $0x400;
	s21 =	sshll.u32 s20, $0x1;
	v2 =	vld [tilespmem:s22+$0x1C60];
	v6 =	vmul.f32 $1.131370830e+01, v6;
	[tilespmem:s22+$0x9C70] =	vst v7  }
.LBB2_3:
0x22: {  	p0 =	sne.s32 s24, $0xFE00;
	v7 =	vld [tilespmem:s23+$0x1C70];
	[tilespmem:s22+$0x9C00] =	vst v5;
	v4 =	vmul.f32 $1.131370830e+01, v4  }
0x23: {  	v5 =	vld [tilespmem:s23+$0x1C00];
	[tilespmem:s22+$0x9C10] =	vst v6;
	v3 =	vmul.f32 $1.131370830e+01, v3  }
0x24: {  	v6 =	vld [tilespmem:s23+$0x1C10];
	[tilespmem:s22+$0x9C20] =	vst v4;
	v0 =	vmul.f32 $1.131370830e+01, v0  }
.Ltmp0:
0x25: {  	v4 =	vld [tilespmem:s23+$0x1C20];
	[tilespmem:s22+$0x9C30] =	vst v3;
	v1 =	vmul.f32 $1.131370830e+01, v1;
	(pc) =	sbr.rel @p0 .LBB2_3-.Ltmp0, $4  }
0x26: {  	v3 =	vld [tilespmem:s23+$0x1C30];
	[tilespmem:s22+$0x9C40] =	vst v0;
	v2 =	vmul.f32 $1.131370830e+01, v2  }
0x27: {  	v0 =	vld [tilespmem:s23+$0x1C40];
	v7 =	vmul.f32 $1.131370830e+01, v7;
	[tilespmem:s22+$0x9C50] =	vst v1  }
0x28: {  	v5 =	vmul.f32 $1.131370830e+01, v5;
	v1 =	vld [tilespmem:s23+$0x1C50];
	[tilespmem:s22+$0x9C60] =	vst v2;
	s22 =	smov.u32 s23  }
0x29: {  	s23 =	sshra.s32 s24, $0x2;
	s24 =	sadd.s32 $0x200, s24;
	v6 =	vmul.f32 $1.131370830e+01, v6;
	v2 =	vld [tilespmem:s22+$0x1C60];
	[tilespmem:s22+$0x9C70] =	vst v7  }
0x2a: {  	v7 =	vld [tilespmem:s23+$0x1C70];
	[tilespmem:s22+$0x9C00] =	vst v5;
	v4 =	vmul.f32 $1.131370830e+01, v4  }
0x2b: {  	v5 =	vld [tilespmem:s23+$0x1C00];
	[tilespmem:s22+$0x9C10] =	vst v6;
	v3 =	vmul.f32 $1.131370830e+01, v3  }
0x2c: {  	v6 =	vld [tilespmem:s23+$0x1C10];
	[tilespmem:s22+$0x9C20] =	vst v4;
	v0 =	vmul.f32 $1.131370830e+01, v0  }
0x2d: {  	v4 =	vld [tilespmem:s23+$0x1C20];
	[tilespmem:s22+$0x9C30] =	vst v3;
	v1 =	vmul.f32 $1.131370830e+01, v1  }
0x2e: {  	v3 =	vld [tilespmem:s23+$0x1C30];
	[tilespmem:s22+$0x9C40] =	vst v0;
	v2 =	vmul.f32 $1.131370830e+01, v2  }
0x2f: {  	v0 =	vld [tilespmem:s23+$0x1C40];
	[tilespmem:s22+$0x9C50] =	vst v1;
	v7 =	vmul.f32 $1.131370830e+01, v7  }
0x30: {  	v1 =	vld [tilespmem:s23+$0x1C50];
	[tilespmem:s22+$0x9C60] =	vst v2;
	v2 =	vmul.f32 $1.131370830e+01, v5  }
0x31: {  	v5 =	vld [tilespmem:s23+$0x1C60];
	v6 =	vmul.f32 $1.131370830e+01, v6;
	[tilespmem:s23+$0x9C70] =	vst v7  }
0x32: {  	[tilespmem:s23+$0x9C00] =	vst v2;
	v2 =	vmul.f32 $1.131370830e+01, v4  }
0x33: {  	[tilespmem:s23+$0x9C10] =	vst v6;
	v3 =	vmul.f32 $1.131370830e+01, v3  }
0x34: {  	[tilespmem:s23+$0x9C20] =	vst v2;
	v0 =	vmul.f32 $1.131370830e+01, v0  }
0x35: {  	p0 =	seq.s32 s20, $0x18;
	[tilespmem:s23+$0x9C30] =	vst v3;
	v1 =	vmul.f32 $1.131370830e+01, v1  }
0x36: {  	s22 =	sshll.u32 @!p0 s20, $0x8;
	[tilespmem:s23+$0x9C40] =	vst v0;
	v0 =	vmul.f32 $1.131370830e+01, v5  }
0x37: {  	s31 =	sadd.s32 s5, s21;
	s22 =	sand.u32 @!p0 $0x3FFFFF00, s22;
	[tilespmem:s23+$0x9C50] =	vst v1  }
0x38: {  	s24 =	simm.s32 @!p0 $0x80;
	s25 =	simm.s32 @!p0 $0x1C00;
	[tilespmem:s23+$0x9C60] =	vst v0;
	s23 =	sadd.s32 @!p0 $0x100, s22  }
0x39: {  	[tilespmem:s25], [sflag:$0x1] =	stream.indirect.gather @!p0 [hbm4b:s2+s24], $0x80, s23, s24, $0xb8;
	[tilespmem:$0x11C00] =	vst v63  }
0x3a: {  	s23 =	sshll.u32 s31, $0xB  }
0x3b: {  	s23 =	sadd.s32 s3, s23  }
0x3c: {  	[hbm4b:s23+s4] =	stream.linear.scatter [tilespmem:s14], [sflag:$0x3], $0x4000, $0x38;
	[tilespmem:$0x11C00] =	vst v63  }
0x3d: {  	_ =	swait.ge [sflag:s15], $0x4000  }
0x3e: {  	[sflag:s15] =	ssyncset.done $0x0  }
0x3f: {  	s23 =	simm.s32 @!p1 $0x4;
	[sflag:s15] =	ssyncadd.s32 $0xFFFFC000  }
0x40: {  	_ =	swait.ge @!p1 [sflag:s23], $0x4000  }
0x41: {  	[sflag:s23] =	ssyncset.done @!p1 $0x0  }
0x42: {  	s24 =	simm.s32 $0x0;
	[sflag:s23] =	ssyncadd.s32 @!p1 $0xFFFFC000  }
0x43: {  	v1 =	vld [tilespmem:s24+$0x5C70]  }
0x44: {  	v5 =	vld [tilespmem:s24+$0x5C00]  }
0x45: {  	v6 =	vld [tilespmem:s24+$0x5C10]  }
0x46: {  	v4 =	vld [tilespmem:s24+$0x5C20]  }
0x47: {  	v3 =	vld [tilespmem:s24+$0x5C30]  }
0x48: {  	v0 =	vld [tilespmem:s24+$0x5C40];
	v7 =	vmul.f32 $1.131370830e+01, v1  }
0x49: {  	v1 =	vld [tilespmem:s24+$0x5C50];
	v5 =	vmul.f32 $1.131370830e+01, v5  }
0x4a: {  	s25 =	simm.s32 $0x400;
	s23 =	simm.s32 $0x80;
	v2 =	vld [tilespmem:s24+$0x5C60];
	v6 =	vmul.f32 $1.131370830e+01, v6;
	[tilespmem:s24+$0xDC70] =	vst v7  }
.LBB2_5:
0x4b: {  	p1 =	sne.s32 s25, $0xFE00;
	v7 =	vld [tilespmem:s23+$0x5C70];
	[tilespmem:s24+$0xDC00] =	vst v5;
	v4 =	vmul.f32 $1.131370830e+01, v4  }
0x4c: {  	v5 =	vld [tilespmem:s23+$0x5C00];
	[tilespmem:s24+$0xDC10] =	vst v6;
	v3 =	vmul.f32 $1.131370830e+01, v3  }
0x4d: {  	v6 =	vld [tilespmem:s23+$0x5C10];
	[tilespmem:s24+$0xDC20] =	vst v4;
	v0 =	vmul.f32 $1.131370830e+01, v0  }
.Ltmp1:
0x4e: {  	v4 =	vld [tilespmem:s23+$0x5C20];
	[tilespmem:s24+$0xDC30] =	vst v3;
	v1 =	vmul.f32 $1.131370830e+01, v1;
	(pc) =	sbr.rel @p1 .LBB2_5-.Ltmp1, $4  }
0x4f: {  	v3 =	vld [tilespmem:s23+$0x5C30];
	[tilespmem:s24+$0xDC40] =	vst v0;
	v2 =	vmul.f32 $1.131370830e+01, v2  }
0x50: {  	v0 =	vld [tilespmem:s23+$0x5C40];
	v7 =	vmul.f32 $1.131370830e+01, v7;
	[tilespmem:s24+$0xDC50] =	vst v1  }
0x51: {  	v5 =	vmul.f32 $1.131370830e+01, v5;
	v1 =	vld [tilespmem:s23+$0x5C50];
	[tilespmem:s24+$0xDC60] =	vst v2;
	s24 =	smov.u32 s23  }
0x52: {  	s23 =	sshra.s32 s25, $0x2;
	s25 =	sadd.s32 $0x200, s25;
	v6 =	vmul.f32 $1.131370830e+01, v6;
	v2 =	vld [tilespmem:s24+$0x5C60];
	[tilespmem:s24+$0xDC70] =	vst v7  }
0x53: {  	v7 =	vld [tilespmem:s23+$0x5C70];
	[tilespmem:s24+$0xDC00] =	vst v5;
	v4 =	vmul.f32 $1.131370830e+01, v4  }
0x54: {  	v5 =	vld [tilespmem:s23+$0x5C00];
	[tilespmem:s24+$0xDC10] =	vst v6;
	v3 =	vmul.f32 $1.131370830e+01, v3  }
0x55: {  	v6 =	vld [tilespmem:s23+$0x5C10];
	[tilespmem:s24+$0xDC20] =	vst v4;
	v0 =	vmul.f32 $1.131370830e+01, v0  }
0x56: {  	v4 =	vld [tilespmem:s23+$0x5C20];
	[tilespmem:s24+$0xDC30] =	vst v3;
	v1 =	vmul.f32 $1.131370830e+01, v1  }
0x57: {  	v3 =	vld [tilespmem:s23+$0x5C30];
	[tilespmem:s24+$0xDC40] =	vst v0;
	v2 =	vmul.f32 $1.131370830e+01, v2  }
0x58: {  	v0 =	vld [tilespmem:s23+$0x5C40];
	[tilespmem:s24+$0xDC50] =	vst v1;
	v7 =	vmul.f32 $1.131370830e+01, v7  }
0x59: {  	v1 =	vld [tilespmem:s23+$0x5C50];
	[tilespmem:s24+$0xDC60] =	vst v2;
	v60 =	vmul.f32 $1.131370830e+01, v5  }
0x5a: {  	v61 =	vld [tilespmem:s23+$0x5C60];
	v6 =	vmul.f32 $1.131370830e+01, v6;
	[tilespmem:s23+$0xDC70] =	vst v7  }
0x5b: {  	[tilespmem:s23+$0xDC00] =	vst v60;
	v62 =	vmul.f32 $1.131370830e+01, v4  }
0x5c: {  	[tilespmem:s23+$0xDC10] =	vst v6;
	v3 =	vmul.f32 $1.131370830e+01, v3  }
0x5d: {  	[tilespmem:s23+$0xDC20] =	vst v62;
	v0 =	vmul.f32 $1.131370830e+01, v0  }
0x5e: {  	[tilespmem:s23+$0xDC30] =	vst v3;
	v1 =	vmul.f32 $1.131370830e+01, v1  }
0x5f: {  	[tilespmem:s23+$0xDC40] =	vst v0;
	v63 =	vmul.f32 $1.131370830e+01, v61  }
0x60: {  	s22 =	sadd.s32 @!p0 $0x180, s22;
	[tilespmem:s23+$0xDC50] =	vst v1  }
0x61: {  	s20 =	sadd.s32 $0x1, s20;
	s24 =	simm.s32 @!p0 $0x5C00;
	[tilespmem:s23+$0xDC60] =	vst v63;
	s23 =	simm.s32 @!p0 $0x80  }
0x62: {  	[tilespmem:s24], [sflag:$0x2] =	stream.indirect.gather @!p0 [hbm4b:s2+s23], $0x80, s22, s23, $0xb8;
	[tilespmem:$0x11C00] =	vst v63  }
0x63: {  	p0 =	sne.s32 s20, $0x19  }
.Ltmp2:
0x64: {  	s21 =	sadd.s32 s21, s7;
	(pc) =	sbr.rel @p0 .LBB2_2-.Ltmp2, $4  }
0x65: {  	s21 =	sshll.u32 s21, $0xB  }
0x66: {  	s21 =	sand.u32 $0xFFFF800, s21  }
0x67: {  	s21 =	sadd.s32 s3, s21  }
0x68: {  	[hbm4b:s21+s4] =	stream.linear.scatter [tilespmem:s16], [sflag:$0x4], $0x4000, $0x38;
	[tilespmem:$0x11C00] =	vst v63  }
0x69: {  	s19 =	sadd.s32 $0x1, s19  }
0x6a: {  	_ =	swait.ge [sflag:s17], $0x4000;
	p0 =	sne.s32 s19, s8  }
.Ltmp3:
0x6b: {  	[sflag:s17] =	ssyncset.done $0x0;
	(pc) =	sbr.rel @p0 .LBB2_1-.Ltmp3, $4  }
0x6c: {  	[sflag:s17] =	ssyncadd.s32 $0xFFFFC000  }
0x6d: {  	_ =	swait.ge [sflag:s18], $0x4000  }
0x6e: {  	[sflag:s18] =	ssyncset.done $0x0  }
0x6f: {  	[sflag:s18] =	ssyncadd.s32 $0xFFFFC000  }
0x70: {  	_ =	sfence.sel $0x180000  }
0x71: {  	[bflag:$0x0] =	sbarrier.arrive $0xFFFF  }
0x72: {  	p0 =	sne.s32 s0, $0x0;
	_ =	strace $0x90000047  }
0x73: {  	s0 =	sadd.s32 @!p0 $0x100000, s1;
	[bflag:$0x2] =	sbarrier.arrive $0xFFFF  }
0x74: {  	[sflag:s0] =	ssyncadd.tile.s32 @!p0 $0x1;
	_ =	shalt  }
.Lfunc_end2:
_tile_overlayer_lowered:
.L_overlay_start_2:
0x75: {  	(tag) =	ssettag $0x2  }
0x76: {  	s0 =	rddreg [dreg:$0x0];
	s2 =	stileid.u32  }
0x77: {  	s1 =	rddreg [dreg:$0x1];
	p0 =	sne.s32 s2, $0x0  }
0x78: {  	s3 =	rddreg [dreg:$0x2];
	[bflag:$0x3] =	sbarrier.arrive $0xFFFF;
	s2 =	simm.s32 @!p0 $0x1C05  }
0x79: {  	[timem:s3], [sflag:s2] =	dma.local @!p0 [hbm:s0], s1  }
0x7a: {  	s0 =	simm.s32 @!p0 $0x5  }
0x7b: {  	_ =	swait.ge @!p0 [sflag:s0], s1  }
0x7c: {  	s1 =	ssub.s32 @!p0 $0x0, s1;
	[sflag:s0] =	ssyncset.done @!p0 $0x0  }
0x7d: {  	[sflag:s0] =	ssyncadd.s32 @!p0 s1  }
0x7e: {  	[bflag:$0x3] =	sbarrier.arrive $0xFFFF  }
0x7f: {  	_ =	shalt  }

</sc_bundles>
